<compile_context>
chip_gen: v7x
topology: tpu7x:2x2x1
jax: 0.10.2.dev20260603
libtpu: 0.0.44.dev20260713+nightly
codegen_flags: <defaults>
</compile_context>

<pallas_src>
import functools

import jax
import jax.numpy as jnp
from jax import lax
from jax.experimental import pallas as pl
from jax.experimental.pallas import tpu as pltpu
from jax.experimental.pallas import tpu_sc as plsc

_DN = ('NHWC', 'HWIO', 'NHWC')


def _conv(x, w, b, s=1):
    return lax.conv_general_dilated(x, w, (s, s), 'SAME', dimension_numbers=_DN) + b


def _convT(x, w, b):
    return lax.conv_transpose(x, w, (2, 2), 'SAME', dimension_numbers=_DN) + b


def _res_stack(x, w3, b3, w1, b1):
    h = _conv(jax.nn.relu(x), w3, b3)
    h = _conv(jax.nn.relu(h), w1, b1)
    return jax.nn.relu(x + h)



_BLK = 1792


def _vq_idx_body(z_ref, cbt_ref, idx_ref):
    z = z_ref[...]
    cbt = cbt_ref[...]
    scores = jnp.dot(z, cbt, preferred_element_type=jnp.float32)
    cn = jnp.sum(cbt * cbt, axis=0, keepdims=True)
    zn = jnp.sum(z * z, axis=1, keepdims=True)
    d = (zn - 2.0 * scores) + cn
    idx = jnp.argmin(d, axis=1).astype(jnp.int32)
    idx_ref[...] = idx.reshape(1, 1, _BLK)


def _vq_indices(zf, cbt):
    n = zf.shape[0]
    grid = n // _BLK
    idx3 = pl.pallas_call(
        _vq_idx_body,
        grid=(grid,),
        in_specs=[
            pl.BlockSpec((_BLK, zf.shape[1]), lambda i: (i, 0)),
            pl.BlockSpec(cbt.shape, lambda i: (0, 0)),
        ],
        out_specs=pl.BlockSpec((1, 1, _BLK), lambda i: (i, 0, 0)),
        out_shape=jax.ShapeDtypeStruct((grid, 1, _BLK), jnp.int32),
    )(zf, cbt)
    return idx3.reshape(n)



_NC, _NS = 2, 16
_NW = _NC * _NS


def _sc_gather_body(bpw, dd, cb_hbm, idx_hbm, out_hbm, cb_v, idx_v, out_v,
                    sem):
    wid = lax.axis_index("s") * _NC + lax.axis_index("c")
    base = wid * bpw
    cb_cp = pltpu.async_copy(cb_hbm, cb_v, sem)
    pltpu.sync_copy(idx_hbm.at[pl.ds(base, bpw)], idx_v.at[pl.ds(0, bpw)])
    cb_cp.wait()

    lane = lax.iota(jnp.int32, 16)
    lane_d = lane * dd
    groups = bpw // 16
    rem = bpw - groups * 16

    @plsc.parallel_loop(0, groups, unroll=4)
    def _group(g):
        idx16 = idx_v[pl.ds(g * 16, 16)]
        src = idx16 * dd
        dstb = g * (16 * dd)
        for c in range(dd):
            v = plsc.load_gather(cb_v, [src + c])
            plsc.store_scatter(out_v, [lane_d + (dstb + c)], v)
    if rem:
        m = lane < rem
        idx16 = idx_v[pl.ds(groups * 16, 16)]
        src = idx16 * dd
        dstb = groups * (16 * dd)
        for c in range(dd):
            v = plsc.load_gather(cb_v, [src + c], mask=m)
            plsc.store_scatter(out_v, [lane_d + (dstb + c)], v, mask=m)
    pltpu.sync_copy(out_v, out_hbm.at[pl.ds(base * dd, bpw * dd)])


def _sc_gather(codebook, idx):
    n = idx.shape[0]
    k, dd = codebook.shape
    bpw = n // _NW
    mesh = plsc.VectorSubcoreMesh(core_axis_name="c", subcore_axis_name="s")
    run = pl.kernel(
        functools.partial(_sc_gather_body, bpw, dd),
        out_type=jax.ShapeDtypeStruct((n * dd,), jnp.float32),
        mesh=mesh,
        scratch_types=[
            pltpu.VMEM((k * dd,), jnp.float32),
            pltpu.VMEM((bpw + 16,), jnp.int32),
            pltpu.VMEM((bpw * dd,), jnp.float32),
            pltpu.SemaphoreType.DMA,
        ],
        compiler_params=pltpu.CompilerParams(use_tc_tiling_on_sc=False,
                                             needs_layout_passes=False),
    )
    return run(codebook.reshape(-1), idx).reshape(n, dd)


def kernel(x, we1, be1, we2, be2, we3, be3, wer3, ber3, wer1, ber1, wpre,
           bpre, codebook, wd1, bd1, wdr3, bdr3, wdr1, bdr1, wdt2, bdt2,
           wdtf, bdtf):
    h = jax.nn.relu(_conv(x, we1, be1, 2))
    h = jax.nn.relu(_conv(h, we2, be2, 2))
    h = jax.nn.relu(_conv(h, we3, be3, 1))
    h = _res_stack(h, wer3, ber3, wer1, ber1)

    z = _conv(h, wpre, bpre, 1)

    flat = z.reshape(-1, z.shape[-1])
    idx = _vq_indices(flat, codebook.T)
    q = _sc_gather(codebook, idx).reshape(z.shape)
    qst = z + lax.stop_gradient(q - z)

    y = _conv(qst, wd1, bd1, 1)
    y = _res_stack(y, wdr3, bdr3, wdr1, bdr1)
    y = jax.nn.relu(_convT(y, wdt2, bdt2))
    y = _convT(y, wdtf, bdtf)
    return y

# --- scband reference (transcript-rebuilt; emitter-appended) ---
"""Pipeline reference for scband-vqvaemodel-26654567039472 (READ-ONLY COPY).

The authoritative reference and input builder live on the scoring server;
editing this copy changes nothing except your own understanding.
"""

import jax, jax.numpy as jnp
import numpy as np
from jax import lax

DN = ('NHWC', 'HWIO', 'NHWC')

def conv(x, w, b, s=1):
    return lax.conv_general_dilated(x, w, (s, s), 'SAME', dimension_numbers=DN) + b

def convT(x, w, b):
    return lax.conv_transpose(x, w, (2, 2), 'SAME', dimension_numbers=DN) + b

def res_stack(x, w3, b3, w1, b1):
    # ResidualStack with num_residual_layers=2: single residual block then relu
    h = conv(jax.nn.relu(x), w3, b3)
    h = conv(jax.nn.relu(h), w1, b1)
    x = x + h
    return jax.nn.relu(x)

def setup_inputs(seed: int = 0):
    key = jax.random.key(seed)
    ks = jax.random.split(key, 24)
    H, RH, D, K = 128, 32, 64, 512
    s = 0.05
    p = {}
    p['x'] = jax.random.normal(ks[0], (4, 224, 224, 3), jnp.float32)
    # Encoder4Stride params
    p['we1'] = jax.random.normal(ks[1], (4, 4, 3, H // 2), jnp.float32) * s
    p['be1'] = jnp.zeros((H // 2,), jnp.float32)
    p['we2'] = jax.random.normal(ks[2], (4, 4, H // 2, H), jnp.float32) * s
    p['be2'] = jnp.zeros((H,), jnp.float32)
    p['we3'] = jax.random.normal(ks[3], (3, 3, H, H), jnp.float32) * s
    p['be3'] = jnp.zeros((H,), jnp.float32)
    p['wer3'] = jax.random.normal(ks[4], (3, 3, H, RH), jnp.float32) * s
    p['ber3'] = jnp.zeros((RH,), jnp.float32)
    p['wer1'] = jax.random.normal(ks[5], (3, 3, RH, H), jnp.float32) * s
    p['ber1'] = jnp.zeros((H,), jnp.float32)
    # pre-VQ 1x1 conv to embedding_dim
    p['wpre'] = jax.random.normal(ks[6], (1, 1, H, D), jnp.float32) * s
    p['bpre'] = jnp.zeros((D,), jnp.float32)
    # shared codebook
    p['codebook'] = jax.random.normal(ks[7], (K, D), jnp.float32) * s
    # Decoder4 params
    p['wd1'] = jax.random.normal(ks[8], (3, 3, D, H), jnp.float32) * s
    p['bd1'] = jnp.zeros((H,), jnp.float32)
    p['wdr3'] = jax.random.normal(ks[9], (3, 3, H, RH), jnp.float32) * s
    p['bdr3'] = jnp.zeros((RH,), jnp.float32)
    p['wdr1'] = jax.random.normal(ks[10], (3, 3, RH, H), jnp.float32) * s
    p['bdr1'] = jnp.zeros((H,), jnp.float32)
    p['wdt2'] = jax.random.normal(ks[11], (4, 4, H, H // 2), jnp.float32) * s
    p['bdt2'] = jnp.zeros((H // 2,), jnp.float32)
    p['wdtf'] = jax.random.normal(ks[12], (4, 4, H // 2, 3), jnp.float32) * s
    p['bdtf'] = jnp.zeros((3,), jnp.float32)
    return p

def reference(x, we1, be1, we2, be2, we3, be3, wer3, ber3, wer1, ber1, wpre, bpre, codebook, wd1, bd1, wdr3, bdr3, wdr1, bdr1, wdt2, bdt2, wdtf, bdtf):
    # Encoder4Stride
    h = jax.nn.relu(conv(x, we1, be1, 2))
    h = jax.nn.relu(conv(h, we2, be2, 2))
    h = jax.nn.relu(conv(h, we3, be3, 1))
    h = res_stack(h, wer3, ber3, wer1, ber1)
    z = conv(h, wpre, bpre, 1)
    # Vector quantization against shared codebook
    flat = z.reshape(-1, z.shape[-1])
    d = jnp.sum(flat ** 2, axis=1, keepdims=True) - 2.0 * flat @ codebook.T + jnp.sum(codebook ** 2, axis=1)
    idx = jnp.argmin(d, axis=1)
    q = jnp.take(codebook, idx, axis=0).reshape(z.shape)
    qst = z + lax.stop_gradient(q - z)
    # Decoder4
    y = conv(qst, wd1, bd1, 1)
    y = res_stack(y, wdr3, bdr3, wdr1, bdr1)
    y = jax.nn.relu(convT(y, wdt2, bdt2))
    y = convT(y, wdtf, bdtf)
    return y

if __name__ == "__main__":
    import jax
    _d = setup_inputs()
    print(jax.jit(kernel)(*tuple(_d.values())))

</pallas_src>

<mosaic_0001>
#map = affine_map<(d0, d1) -> (0)>
module attributes {stable_mosaic.version = 14 : i64} {
  func.func @_sc_gather_body(%arg0: i32, %arg1: i32, %arg2: memref<32768xf32, #tpu.memory_space<hbm>>, %arg3: memref<12544xi32, #tpu.memory_space<hbm>>, %arg4: memref<802816xf32, #tpu.memory_space<hbm>>, %arg5: memref<32768xf32, #tpu.memory_space<vmem>>, %arg6: memref<408xi32, #tpu.memory_space<vmem>>, %arg7: memref<25088xf32, #tpu.memory_space<vmem>>, %arg8: memref<!tpu.dma_semaphore, #tpu.memory_space<semaphore_mem>>) attributes {dimension_semantics = [#tpu.dimension_semantics<core_parallel>, #tpu.dimension_semantics<subcore_parallel>], iteration_bounds = array<i64: 2, 16>, scalar_prefetch = 0 : i64, scratch_operands = 4 : i64, tpu.core_type = #tpu.core_type<sc_vector_subcore>, window_params = [{transform_indices = #map}, {transform_indices = #map}, {transform_indices = #map}]} {
    %mul3A = arith.constant 2 : i32
    %mul3A_0 = arith.muli %arg1, %mul3A : i32
    %add3A = arith.addi %mul3A_0, %arg0 : i32
    %mul3A_1 = arith.constant 392 : i32
    %mul3A_2 = arith.muli %add3A, %mul3A_1 : i32
    tpu.enqueue_dma source(%arg2 : memref<32768xf32, #tpu.memory_space<hbm>>) target(%arg5 : memref<32768xf32, #tpu.memory_space<vmem>>) target_semaphore(%arg8 : memref<!tpu.dma_semaphore, #tpu.memory_space<semaphore_mem>>)
    "tpu.region"() ({
      %run_scoped3A = tpu.sem_alloc : memref<!tpu.dma_semaphore, #tpu.memory_space<semaphore_mem>>
      %dma_start3A = arith.constant 0 : i32
      %dma_start3A_463 = tpu.memref_slice %arg6[%dma_start3A] : memref<408xi32, #tpu.memory_space<vmem>> -> memref<392xi32, #tpu.memory_space<vmem>>
      %dma_start3A_464 = tpu.memref_slice %arg3[%mul3A_2] : memref<12544xi32, #tpu.memory_space<hbm>> -> memref<392xi32, #tpu.memory_space<hbm>>
      %dma_start3A_465 = arith.constant 0 : i32
      %dma_start3A_466 = tpu.memref_slice %arg6[%dma_start3A_465] : memref<408xi32, #tpu.memory_space<vmem>> -> memref<392xi32, #tpu.memory_space<vmem>>
      %dma_start3A_467 = tpu.memref_slice %arg3[%mul3A_2] : memref<12544xi32, #tpu.memory_space<hbm>> -> memref<392xi32, #tpu.memory_space<hbm>>
      tpu.enqueue_dma source(%dma_start3A_467 : memref<392xi32, #tpu.memory_space<hbm>>) target(%dma_start3A_466 : memref<392xi32, #tpu.memory_space<vmem>>) target_semaphore(%run_scoped3A : memref<!tpu.dma_semaphore, #tpu.memory_space<semaphore_mem>>)
      %dma_wait3A = arith.constant 0 : i32
      %dma_wait3A_468 = tpu.memref_slice %arg6[%dma_wait3A] : memref<408xi32, #tpu.memory_space<vmem>> -> memref<392xi32, #tpu.memory_space<vmem>>
      %dma_wait3A_469 = tpu.memref_slice %arg3[%mul3A_2] : memref<12544xi32, #tpu.memory_space<hbm>> -> memref<392xi32, #tpu.memory_space<hbm>>
      %dma_wait3A_470 = arith.constant 0 : i32
      %dma_wait3A_471 = tpu.memref_slice %arg6[%dma_wait3A_470] : memref<408xi32, #tpu.memory_space<vmem>> -> memref<392xi32, #tpu.memory_space<vmem>>
      %dma_wait3A_472 = tpu.memref_slice %arg3[%mul3A_2] : memref<12544xi32, #tpu.memory_space<hbm>> -> memref<392xi32, #tpu.memory_space<hbm>>
      tpu.wait_dma2 semaphore(%run_scoped3A : memref<!tpu.dma_semaphore, #tpu.memory_space<semaphore_mem>>) src(%dma_wait3A_472 : memref<392xi32, #tpu.memory_space<hbm>>) dst(%dma_wait3A_471 : memref<392xi32, #tpu.memory_space<vmem>>)
      tpu.yield
    }) : () -> ()
    tpu.wait_dma2 semaphore(%arg8 : memref<!tpu.dma_semaphore, #tpu.memory_space<semaphore_mem>>) src(%arg2 : memref<32768xf32, #tpu.memory_space<hbm>>) dst(%arg5 : memref<32768xf32, #tpu.memory_space<vmem>>)
    %iota3A = tpu.iota {dimensions = array<i32: 0>} : vector<16xi32>
    %mul3A_3 = arith.constant 64 : i32
    %mul3A_4 = vector.broadcast %mul3A_3 : i32 to vector<16xi32>
    %mul3A_5 = arith.muli %iota3A, %mul3A_4 : vector<16xi32>
    %parallel_loop3A = arith.constant 0 : i32
    %parallel_loop3A_6 = arith.constant 24 : i32
    %parallel_loop3A_7 = arith.constant 1 : i32
    scf.for %parallel_loop3A_463 = %parallel_loop3A to %parallel_loop3A_6 step %parallel_loop3A_7  : i32 {
      %parallel_loop3A_464 = arith.constant 16 : i32
      %parallel_loop3A_465 = arith.muli %parallel_loop3A_463, %parallel_loop3A_464 : i32
      %parallel_loop3A_466 = arith.index_cast %parallel_loop3A_465 : i32 to index
      %parallel_loop3A_467 = tpu.vector_load %arg6[%parallel_loop3A_466] {strides = array<i32>} : memref<408xi32, #tpu.memory_space<vmem>>, vector<16xi32>,
      %parallel_loop3A_468 = arith.constant 64 : i32
      %parallel_loop3A_469 = vector.broadcast %parallel_loop3A_468 : i32 to vector<16xi32>
      %parallel_loop3A_470 = arith.muli %parallel_loop3A_467, %parallel_loop3A_469 : vector<16xi32>
      %parallel_loop3A_471 = arith.constant 1024 : i32
      %parallel_loop3A_472 = arith.muli %parallel_loop3A_463, %parallel_loop3A_471 : i32
      %parallel_loop3A_473 = arith.constant 0 : i32
      %parallel_loop3A_474 = vector.broadcast %parallel_loop3A_473 : i32 to vector<16xi32>
      %parallel_loop3A_475 = arith.addi %parallel_loop3A_470, %parallel_loop3A_474 : vector<16xi32>
      %parallel_loop3A_476 = tpu.vector_load_idx %arg5[%parallel_loop3A_475] : memref<32768xf32, #tpu.memory_space<vmem>>[vector<16xi32>], vector<16xf32>,
      %parallel_loop3A_477 = arith.constant 0 : i32
      %parallel_loop3A_478 = arith.addi %parallel_loop3A_472, %parallel_loop3A_477 : i32
      %parallel_loop3A_479 = vector.broadcast %parallel_loop3A_478 : i32 to vector<16xi32>
      %parallel_loop3A_480 = arith.addi %mul3A_5, %parallel_loop3A_479 : vector<16xi32>
      tpu.vector_store_idx %arg7[%parallel_loop3A_480], %parallel_loop3A_476 : memref<25088xf32, #tpu.memory_space<vmem>>[vector<16xi32>], vector<16xf32>,
      %parallel_loop3A_481 = arith.constant 1 : i32
      %parallel_loop3A_482 = vector.broadcast %parallel_loop3A_481 : i32 to vector<16xi32>
      %parallel_loop3A_483 = arith.addi %parallel_loop3A_470, %parallel_loop3A_482 : vector<16xi32>
      %parallel_loop3A_484 = tpu.vector_load_idx %arg5[%parallel_loop3A_483] : memref<32768xf32, #tpu.memory_space<vmem>>[vector<16xi32>], vector<16xf32>,
      %parallel_loop3A_485 = arith.constant 1 : i32
      %parallel_loop3A_486 = arith.addi %parallel_loop3A_472, %parallel_loop3A_485 : i32
      %parallel_loop3A_487 = vector.broadcast %parallel_loop3A_486 : i32 to vector<16xi32>
      %parallel_loop3A_488 = arith.addi %mul3A_5, %parallel_loop3A_487 : vector<16xi32>
      tpu.vector_store_idx %arg7[%parallel_loop3A_488], %parallel_loop3A_484 : memref<25088xf32, #tpu.memory_space<vmem>>[vector<16xi32>], vector<16xf32>,
      %parallel_loop3A_489 = arith.constant 2 : i32
      %parallel_loop3A_490 = vector.broadcast %parallel_loop3A_489 : i32 to vector<16xi32>
      %parallel_loop3A_491 = arith.addi %parallel_loop3A_470, %parallel_loop3A_490 : vector<16xi32>
      %parallel_loop3A_492 = tpu.vector_load_idx %arg5[%parallel_loop3A_491] : memref<32768xf32, #tpu.memory_space<vmem>>[vector<16xi32>], vector<16xf32>,
      %parallel_loop3A_493 = arith.constant 2 : i32
      %parallel_loop3A_494 = arith.addi %parallel_loop3A_472, %parallel_loop3A_493 : i32
      %parallel_loop3A_495 = vector.broadcast %parallel_loop3A_494 : i32 to vector<16xi32>
      %parallel_loop3A_496 = arith.addi %mul3A_5, %parallel_loop3A_495 : vector<16xi32>
      tpu.vector_store_idx %arg7[%parallel_loop3A_496], %parallel_loop3A_492 : memref<25088xf32, #tpu.memory_space<vmem>>[vector<16xi32>], vector<16xf32>,
      %parallel_loop3A_497 = arith.constant 3 : i32
      %parallel_loop3A_498 = vector.broadcast %parallel_loop3A_497 : i32 to vector<16xi32>
      %parallel_loop3A_499 = arith.addi %parallel_loop3A_470, %parallel_loop3A_498 : vector<16xi32>
      %parallel_loop3A_500 = tpu.vector_load_idx %arg5[%parallel_loop3A_499] : memref<32768xf32, #tpu.memory_space<vmem>>[vector<16xi32>], vector<16xf32>,
      %parallel_loop3A_501 = arith.constant 3 : i32
      %parallel_loop3A_502 = arith.addi %parallel_loop3A_472, %parallel_loop3A_501 : i32
      %parallel_loop3A_503 = vector.broadcast %parallel_loop3A_502 : i32 to vector<16xi32>
      %parallel_loop3A_504 = arith.addi %mul3A_5, %parallel_loop3A_503 : vector<16xi32>
      tpu.vector_store_idx %arg7[%parallel_loop3A_504], %parallel_loop3A_500 : memref<25088xf32, #tpu.memory_space<vmem>>[vector<16xi32>], vector<16xf32>,
      %parallel_loop3A_505 = arith.constant 4 : i32
      %parallel_loop3A_506 = vector.broadcast %parallel_loop3A_505 : i32 to vector<16xi32>
      %parallel_loop3A_507 = arith.addi %parallel_loop3A_470, %parallel_loop3A_506 : vector<16xi32>
      %parallel_loop3A_508 = tpu.vector_load_idx %arg5[%parallel_loop3A_507] : memref<32768xf32, #tpu.memory_space<vmem>>[vector<16xi32>], vector<16xf32>,
      %parallel_loop3A_509 = arith.constant 4 : i32
      %parallel_loop3A_510 = arith.addi %parallel_loop3A_472, %parallel_loop3A_509 : i32
      %parallel_loop3A_511 = vector.broadcast %parallel_loop3A_510 : i32 to vector<16xi32>
      %parallel_loop3A_512 = arith.addi %mul3A_5, %parallel_loop3A_511 : vector<16xi32>
      tpu.vector_store_idx %arg7[%parallel_loop3A_512], %parallel_loop3A_508 : memref<25088xf32, #tpu.memory_space<vmem>>[vector<16xi32>], vector<16xf32>,
      %parallel_loop3A_513 = arith.constant 5 : i32
      %parallel_loop3A_514 = vector.broadcast %parallel_loop3A_513 : i32 to vector<16xi32>
      %parallel_loop3A_515 = arith.addi %parallel_loop3A_470, %parallel_loop3A_514 : vector<16xi32>
      %parallel_loop3A_516 = tpu.vector_load_idx %arg5[%parallel_loop3A_515] : memref<32768xf32, #tpu.memory_space<vmem>>[vector<16xi32>], vector<16xf32>,
      %parallel_loop3A_517 = arith.constant 5 : i32
      %parallel_loop3A_518 = arith.addi %parallel_loop3A_472, %parallel_loop3A_517 : i32
      %parallel_loop3A_519 = vector.broadcast %parallel_loop3A_518 : i32 to vector<16xi32>
      %parallel_loop3A_520 = arith.addi %mul3A_5, %parallel_loop3A_519 : vector<16xi32>
      tpu.vector_store_idx %arg7[%parallel_loop3A_520], %parallel_loop3A_516 : memref<25088xf32, #tpu.memory_space<vmem>>[vector<16xi32>], vector<16xf32>,
      %parallel_loop3A_521 = arith.constant 6 : i32
      %parallel_loop3A_522 = vector.broadcast %parallel_loop3A_521 : i32 to vector<16xi32>
      %parallel_loop3A_523 = arith.addi %parallel_loop3A_470, %parallel_loop3A_522 : vector<16xi32>
      %parallel_loop3A_524 = tpu.vector_load_idx %arg5[%parallel_loop3A_523] : memref<32768xf32, #tpu.memory_space<vmem>>[vector<16xi32>], vector<16xf32>,
      %parallel_loop3A_525 = arith.constant 6 : i32
      %parallel_loop3A_526 = arith.addi %parallel_loop3A_472, %parallel_loop3A_525 : i32
      %parallel_loop3A_527 = vector.broadcast %parallel_loop3A_526 : i32 to vector<16xi32>
      %parallel_loop3A_528 = arith.addi %mul3A_5, %parallel_loop3A_527 : vector<16xi32>
      tpu.vector_store_idx %arg7[%parallel_loop3A_528], %parallel_loop3A_524 : memref<25088xf32, #tpu.memory_space<vmem>>[vector<16xi32>], vector<16xf32>,
      %parallel_loop3A_529 = arith.constant 7 : i32
      %parallel_loop3A_530 = vector.broadcast %parallel_loop3A_529 : i32 to vector<16xi32>
      %parallel_loop3A_531 = arith.addi %parallel_loop3A_470, %parallel_loop3A_530 : vector<16xi32>
      %parallel_loop3A_532 = tpu.vector_load_idx %arg5[%parallel_loop3A_531] : memref<32768xf32, #tpu.memory_space<vmem>>[vector<16xi32>], vector<16xf32>,
      %parallel_loop3A_533 = arith.constant 7 : i32
      %parallel_loop3A_534 = arith.addi %parallel_loop3A_472, %parallel_loop3A_533 : i32
      %parallel_loop3A_535 = vector.broadcast %parallel_loop3A_534 : i32 to vector<16xi32>
      %parallel_loop3A_536 = arith.addi %mul3A_5, %parallel_loop3A_535 : vector<16xi32>
      tpu.vector_store_idx %arg7[%parallel_loop3A_536], %parallel_loop3A_532 : memref<25088xf32, #tpu.memory_space<vmem>>[vector<16xi32>], vector<16xf32>,
      %parallel_loop3A_537 = arith.constant 8 : i32
      %parallel_loop3A_538 = vector.broadcast %parallel_loop3A_537 : i32 to vector<16xi32>
      %parallel_loop3A_539 = arith.addi %parallel_loop3A_470, %parallel_loop3A_538 : vector<16xi32>
      %parallel_loop3A_540 = tpu.vector_load_idx %arg5[%parallel_loop3A_539] : memref<32768xf32, #tpu.memory_space<vmem>>[vector<16xi32>], vector<16xf32>,
      %parallel_loop3A_541 = arith.constant 8 : i32
      %parallel_loop3A_542 = arith.addi %parallel_loop3A_472, %parallel_loop3A_541 : i32
      %parallel_loop3A_543 = vector.broadcast %parallel_loop3A_542 : i32 to vector<16xi32>
      %parallel_loop3A_544 = arith.addi %mul3A_5, %parallel_loop3A_543 : vector<16xi32>
      tpu.vector_store_idx %arg7[%parallel_loop3A_544], %parallel_loop3A_540 : memref<25088xf32, #tpu.memory_space<vmem>>[vector<16xi32>], vector<16xf32>,
      %parallel_loop3A_545 = arith.constant 9 : i32
      %parallel_loop3A_546 = vector.broadcast %parallel_loop3A_545 : i32 to vector<16xi32>
      %parallel_loop3A_547 = arith.addi %parallel_loop3A_470, %parallel_loop3A_546 : vector<16xi32>
      %parallel_loop3A_548 = tpu.vector_load_idx %arg5[%parallel_loop3A_547] : memref<32768xf32, #tpu.memory_space<vmem>>[vector<16xi32>], vector<16xf32>,
      %parallel_loop3A_549 = arith.constant 9 : i32
      %parallel_loop3A_550 = arith.addi %parallel_loop3A_472, %parallel_loop3A_549 : i32
      %parallel_loop3A_551 = vector.broadcast %parallel_loop3A_550 : i32 to vector<16xi32>
      %parallel_loop3A_552 = arith.addi %mul3A_5, %parallel_loop3A_551 : vector<16xi32>
      tpu.vector_store_idx %arg7[%parallel_loop3A_552], %parallel_loop3A_548 : memref<25088xf32, #tpu.memory_space<vmem>>[vector<16xi32>], vector<16xf32>,
      %parallel_loop3A_553 = arith.constant 10 : i32
      %parallel_loop3A_554 = vector.broadcast %parallel_loop3A_553 : i32 to vector<16xi32>
      %parallel_loop3A_555 = arith.addi %parallel_loop3A_470, %parallel_loop3A_554 : vector<16xi32>
      %parallel_loop3A_556 = tpu.vector_load_idx %arg5[%parallel_loop3A_555] : memref<32768xf32, #tpu.memory_space<vmem>>[vector<16xi32>], vector<16xf32>,
      %parallel_loop3A_557 = arith.constant 10 : i32
      %parallel_loop3A_558 = arith.addi %parallel_loop3A_472, %parallel_loop3A_557 : i32
      %parallel_loop3A_559 = vector.broadcast %parallel_loop3A_558 : i32 to vector<16xi32>
      %parallel_loop3A_560 = arith.addi %mul3A_5, %parallel_loop3A_559 : vector<16xi32>
      tpu.vector_store_idx %arg7[%parallel_loop3A_560], %parallel_loop3A_556 : memref<25088xf32, #tpu.memory_space<vmem>>[vector<16xi32>], vector<16xf32>,
      %parallel_loop3A_561 = arith.constant 11 : i32
      %parallel_loop3A_562 = vector.broadcast %parallel_loop3A_561 : i32 to vector<16xi32>
      %parallel_loop3A_563 = arith.addi %parallel_loop3A_470, %parallel_loop3A_562 : vector<16xi32>
      %parallel_loop3A_564 = tpu.vector_load_idx %arg5[%parallel_loop3A_563] : memref<32768xf32, #tpu.memory_space<vmem>>[vector<16xi32>], vector<16xf32>,
      %parallel_loop3A_565 = arith.constant 11 : i32
      %parallel_loop3A_566 = arith.addi %parallel_loop3A_472, %parallel_loop3A_565 : i32
      %parallel_loop3A_567 = vector.broadcast %parallel_loop3A_566 : i32 to vector<16xi32>
      %parallel_loop3A_568 = arith.addi %mul3A_5, %parallel_loop3A_567 : vector<16xi32>
      tpu.vector_store_idx %arg7[%parallel_loop3A_568], %parallel_loop3A_564 : memref<25088xf32, #tpu.memory_space<vmem>>[vector<16xi32>], vector<16xf32>,
      %parallel_loop3A_569 = arith.constant 12 : i32
      %parallel_loop3A_570 = vector.broadcast %parallel_loop3A_569 : i32 to vector<16xi32>
      %parallel_loop3A_571 = arith.addi %parallel_loop3A_470, %parallel_loop3A_570 : vector<16xi32>
      %parallel_loop3A_572 = tpu.vector_load_idx %arg5[%parallel_loop3A_571] : memref<32768xf32, #tpu.memory_space<vmem>>[vector<16xi32>], vector<16xf32>,
      %parallel_loop3A_573 = arith.constant 12 : i32
      %parallel_loop3A_574 = arith.addi %parallel_loop3A_472, %parallel_loop3A_573 : i32
      %parallel_loop3A_575 = vector.broadcast %parallel_loop3A_574 : i32 to vector<16xi32>
      %parallel_loop3A_576 = arith.addi %mul3A_5, %parallel_loop3A_575 : vector<16xi32>
      tpu.vector_store_idx %arg7[%parallel_loop3A_576], %parallel_loop3A_572 : memref<25088xf32, #tpu.memory_space<vmem>>[vector<16xi32>], vector<16xf32>,
      %parallel_loop3A_577 = arith.constant 13 : i32
      %parallel_loop3A_578 = vector.broadcast %parallel_loop3A_577 : i32 to vector<16xi32>
      %parallel_loop3A_579 = arith.addi %parallel_loop3A_470, %parallel_loop3A_578 : vector<16xi32>
      %parallel_loop3A_580 = tpu.vector_load_idx %arg5[%parallel_loop3A_579] : memref<32768xf32, #tpu.memory_space<vmem>>[vector<16xi32>], vector<16xf32>,
      %parallel_loop3A_581 = arith.constant 13 : i32
      %parallel_loop3A_582 = arith.addi %parallel_loop3A_472, %parallel_loop3A_581 : i32
      %parallel_loop3A_583 = vector.broadcast %parallel_loop3A_582 : i32 to vector<16xi32>
      %parallel_loop3A_584 = arith.addi %mul3A_5, %parallel_loop3A_583 : vector<16xi32>
      tpu.vector_store_idx %arg7[%parallel_loop3A_584], %parallel_loop3A_580 : memref<25088xf32, #tpu.memory_space<vmem>>[vector<16xi32>], vector<16xf32>,
      %parallel_loop3A_585 = arith.constant 14 : i32
      %parallel_loop3A_586 = vector.broadcast %parallel_loop3A_585 : i32 to vector<16xi32>
      %parallel_loop3A_587 = arith.addi %parallel_loop3A_470, %parallel_loop3A_586 : vector<16xi32>
      %parallel_loop3A_588 = tpu.vector_load_idx %arg5[%parallel_loop3A_587] : memref<32768xf32, #tpu.memory_space<vmem>>[vector<16xi32>], vector<16xf32>,
      %parallel_loop3A_589 = arith.constant 14 : i32
      %parallel_loop3A_590 = arith.addi %parallel_loop3A_472, %parallel_loop3A_589 : i32
      %parallel_loop3A_591 = vector.broadcast %parallel_loop3A_590 : i32 to vector<16xi32>
      %parallel_loop3A_592 = arith.addi %mul3A_5, %parallel_loop3A_591 : vector<16xi32>
      tpu.vector_store_idx %arg7[%parallel_loop3A_592], %parallel_loop3A_588 : memref<25088xf32, #tpu.memory_space<vmem>>[vector<16xi32>], vector<16xf32>,
      %parallel_loop3A_593 = arith.constant 15 : i32
      %parallel_loop3A_594 = vector.broadcast %parallel_loop3A_593 : i32 to vector<16xi32>
      %parallel_loop3A_595 = arith.addi %parallel_loop3A_470, %parallel_loop3A_594 : vector<16xi32>
      %parallel_loop3A_596 = tpu.vector_load_idx %arg5[%parallel_loop3A_595] : memref<32768xf32, #tpu.memory_space<vmem>>[vector<16xi32>], vector<16xf32>,
      %parallel_loop3A_597 = arith.constant 15 : i32
      %parallel_loop3A_598 = arith.addi %parallel_loop3A_472, %parallel_loop3A_597 : i32
      %parallel_loop3A_599 = vector.broadcast %parallel_loop3A_598 : i32 to vector<16xi32>
      %parallel_loop3A_600 = arith.addi %mul3A_5, %parallel_loop3A_599 : vector<16xi32>
      tpu.vector_store_idx %arg7[%parallel_loop3A_600], %parallel_loop3A_596 : memref<25088xf32, #tpu.memory_space<vmem>>[vector<16xi32>], vector<16xf32>,
      %parallel_loop3A_601 = arith.constant 16 : i32
      %parallel_loop3A_602 = vector.broadcast %parallel_loop3A_601 : i32 to vector<16xi32>
      %parallel_loop3A_603 = arith.addi %parallel_loop3A_470, %parallel_loop3A_602 : vector<16xi32>
      %parallel_loop3A_604 = tpu.vector_load_idx %arg5[%parallel_loop3A_603] : memref<32768xf32, #tpu.memory_space<vmem>>[vector<16xi32>], vector<16xf32>,
      %parallel_loop3A_605 = arith.constant 16 : i32
      %parallel_loop3A_606 = arith.addi %parallel_loop3A_472, %parallel_loop3A_605 : i32
      %parallel_loop3A_607 = vector.broadcast %parallel_loop3A_606 : i32 to vector<16xi32>
      %parallel_loop3A_608 = arith.addi %mul3A_5, %parallel_loop3A_607 : vector<16xi32>
      tpu.vector_store_idx %arg7[%parallel_loop3A_608], %parallel_loop3A_604 : memref<25088xf32, #tpu.memory_space<vmem>>[vector<16xi32>], vector<16xf32>,
      %parallel_loop3A_609 = arith.constant 17 : i32
      %parallel_loop3A_610 = vector.broadcast %parallel_loop3A_609 : i32 to vector<16xi32>
      %parallel_loop3A_611 = arith.addi %parallel_loop3A_470, %parallel_loop3A_610 : vector<16xi32>
      %parallel_loop3A_612 = tpu.vector_load_idx %arg5[%parallel_loop3A_611] : memref<32768xf32, #tpu.memory_space<vmem>>[vector<16xi32>], vector<16xf32>,
      %parallel_loop3A_613 = arith.constant 17 : i32
      %parallel_loop3A_614 = arith.addi %parallel_loop3A_472, %parallel_loop3A_613 : i32
      %parallel_loop3A_615 = vector.broadcast %parallel_loop3A_614 : i32 to vector<16xi32>
      %parallel_loop3A_616 = arith.addi %mul3A_5, %parallel_loop3A_615 : vector<16xi32>
      tpu.vector_store_idx %arg7[%parallel_loop3A_616], %parallel_loop3A_612 : memref<25088xf32, #tpu.memory_space<vmem>>[vector<16xi32>], vector<16xf32>,
      %parallel_loop3A_617 = arith.constant 18 : i32
      %parallel_loop3A_618 = vector.broadcast %parallel_loop3A_617 : i32 to vector<16xi32>
      %parallel_loop3A_619 = arith.addi %parallel_loop3A_470, %parallel_loop3A_618 : vector<16xi32>
      %parallel_loop3A_620 = tpu.vector_load_idx %arg5[%parallel_loop3A_619] : memref<32768xf32, #tpu.memory_space<vmem>>[vector<16xi32>], vector<16xf32>,
      %parallel_loop3A_621 = arith.constant 18 : i32
      %parallel_loop3A_622 = arith.addi %parallel_loop3A_472, %parallel_loop3A_621 : i32
      %parallel_loop3A_623 = vector.broadcast %parallel_loop3A_622 : i32 to vector<16xi32>
      %parallel_loop3A_624 = arith.addi %mul3A_5, %parallel_loop3A_623 : vector<16xi32>
      tpu.vector_store_idx %arg7[%parallel_loop3A_624], %parallel_loop3A_620 : memref<25088xf32, #tpu.memory_space<vmem>>[vector<16xi32>], vector<16xf32>,
      %parallel_loop3A_625 = arith.constant 19 : i32
      %parallel_loop3A_626 = vector.broadcast %parallel_loop3A_625 : i32 to vector<16xi32>
      %parallel_loop3A_627 = arith.addi %parallel_loop3A_470, %parallel_loop3A_626 : vector<16xi32>
      %parallel_loop3A_628 = tpu.vector_load_idx %arg5[%parallel_loop3A_627] : memref<32768xf32, #tpu.memory_space<vmem>>[vector<16xi32>], vector<16xf32>,
      %parallel_loop3A_629 = arith.constant 19 : i32
      %parallel_loop3A_630 = arith.addi %parallel_loop3A_472, %parallel_loop3A_629 : i32
      %parallel_loop3A_631 = vector.broadcast %parallel_loop3A_630 : i32 to vector<16xi32>
      %parallel_loop3A_632 = arith.addi %mul3A_5, %parallel_loop3A_631 : vector<16xi32>
      tpu.vector_store_idx %arg7[%parallel_loop3A_632], %parallel_loop3A_628 : memref<25088xf32, #tpu.memory_space<vmem>>[vector<16xi32>], vector<16xf32>,
      %parallel_loop3A_633 = arith.constant 20 : i32
      %parallel_loop3A_634 = vector.broadcast %parallel_loop3A_633 : i32 to vector<16xi32>
      %parallel_loop3A_635 = arith.addi %parallel_loop3A_470, %parallel_loop3A_634 : vector<16xi32>
      %parallel_loop3A_636 = tpu.vector_load_idx %arg5[%parallel_loop3A_635] : memref<32768xf32, #tpu.memory_space<vmem>>[vector<16xi32>], vector<16xf32>,
      %parallel_loop3A_637 = arith.constant 20 : i32
      %parallel_loop3A_638 = arith.addi %parallel_loop3A_472, %parallel_loop3A_637 : i32
      %parallel_loop3A_639 = vector.broadcast %parallel_loop3A_638 : i32 to vector<16xi32>
      %parallel_loop3A_640 = arith.addi %mul3A_5, %parallel_loop3A_639 : vector<16xi32>
      tpu.vector_store_idx %arg7[%parallel_loop3A_640], %parallel_loop3A_636 : memref<25088xf32, #tpu.memory_space<vmem>>[vector<16xi32>], vector<16xf32>,
      %parallel_loop3A_641 = arith.constant 21 : i32
      %parallel_loop3A_642 = vector.broadcast %parallel_loop3A_641 : i32 to vector<16xi32>
      %parallel_loop3A_643 = arith.addi %parallel_loop3A_470, %parallel_loop3A_642 : vector<16xi32>
      %parallel_loop3A_644 = tpu.vector_load_idx %arg5[%parallel_loop3A_643] : memref<32768xf32, #tpu.memory_space<vmem>>[vector<16xi32>], vector<16xf32>,
      %parallel_loop3A_645 = arith.constant 21 : i32
      %parallel_loop3A_646 = arith.addi %parallel_loop3A_472, %parallel_loop3A_645 : i32
      %parallel_loop3A_647 = vector.broadcast %parallel_loop3A_646 : i32 to vector<16xi32>
      %parallel_loop3A_648 = arith.addi %mul3A_5, %parallel_loop3A_647 : vector<16xi32>
      tpu.vector_store_idx %arg7[%parallel_loop3A_648], %parallel_loop3A_644 : memref<25088xf32, #tpu.memory_space<vmem>>[vector<16xi32>], vector<16xf32>,
      %parallel_loop3A_649 = arith.constant 22 : i32
      %parallel_loop3A_650 = vector.broadcast %parallel_loop3A_649 : i32 to vector<16xi32>
      %parallel_loop3A_651 = arith.addi %parallel_loop3A_470, %parallel_loop3A_650 : vector<16xi32>
      %parallel_loop3A_652 = tpu.vector_load_idx %arg5[%parallel_loop3A_651] : memref<32768xf32, #tpu.memory_space<vmem>>[vector<16xi32>], vector<16xf32>,
      %parallel_loop3A_653 = arith.constant 22 : i32
      %parallel_loop3A_654 = arith.addi %parallel_loop3A_472, %parallel_loop3A_653 : i32
      %parallel_loop3A_655 = vector.broadcast %parallel_loop3A_654 : i32 to vector<16xi32>
      %parallel_loop3A_656 = arith.addi %mul3A_5, %parallel_loop3A_655 : vector<16xi32>
      tpu.vector_store_idx %arg7[%parallel_loop3A_656], %parallel_loop3A_652 : memref<25088xf32, #tpu.memory_space<vmem>>[vector<16xi32>], vector<16xf32>,
      %parallel_loop3A_657 = arith.constant 23 : i32
      %parallel_loop3A_658 = vector.broadcast %parallel_loop3A_657 : i32 to vector<16xi32>
      %parallel_loop3A_659 = arith.addi %parallel_loop3A_470, %parallel_loop3A_658 : vector<16xi32>
      %parallel_loop3A_660 = tpu.vector_load_idx %arg5[%parallel_loop3A_659] : memref<32768xf32, #tpu.memory_space<vmem>>[vector<16xi32>], vector<16xf32>,
      %parallel_loop3A_661 = arith.constant 23 : i32
      %parallel_loop3A_662 = arith.addi %parallel_loop3A_472, %parallel_loop3A_661 : i32
      %parallel_loop3A_663 = vector.broadcast %parallel_loop3A_662 : i32 to vector<16xi32>
      %parallel_loop3A_664 = arith.addi %mul3A_5, %parallel_loop3A_663 : vector<16xi32>
      tpu.vector_store_idx %arg7[%parallel_loop3A_664], %parallel_loop3A_660 : memref<25088xf32, #tpu.memory_space<vmem>>[vector<16xi32>], vector<16xf32>,
      %parallel_loop3A_665 = arith.constant 24 : i32
      %parallel_loop3A_666 = vector.broadcast %parallel_loop3A_665 : i32 to vector<16xi32>
      %parallel_loop3A_667 = arith.addi %parallel_loop3A_470, %parallel_loop3A_666 : vector<16xi32>
      %parallel_loop3A_668 = tpu.vector_load_idx %arg5[%parallel_loop3A_667] : memref<32768xf32, #tpu.memory_space<vmem>>[vector<16xi32>], vector<16xf32>,
      %parallel_loop3A_669 = arith.constant 24 : i32
      %parallel_loop3A_670 = arith.addi %parallel_loop3A_472, %parallel_loop3A_669 : i32
      %parallel_loop3A_671 = vector.broadcast %parallel_loop3A_670 : i32 to vector<16xi32>
      %parallel_loop3A_672 = arith.addi %mul3A_5, %parallel_loop3A_671 : vector<16xi32>
      tpu.vector_store_idx %arg7[%parallel_loop3A_672], %parallel_loop3A_668 : memref<25088xf32, #tpu.memory_space<vmem>>[vector<16xi32>], vector<16xf32>,
      %parallel_loop3A_673 = arith.constant 25 : i32
      %parallel_loop3A_674 = vector.broadcast %parallel_loop3A_673 : i32 to vector<16xi32>
      %parallel_loop3A_675 = arith.addi %parallel_loop3A_470, %parallel_loop3A_674 : vector<16xi32>
      %parallel_loop3A_676 = tpu.vector_load_idx %arg5[%parallel_loop3A_675] : memref<32768xf32, #tpu.memory_space<vmem>>[vector<16xi32>], vector<16xf32>,
      %parallel_loop3A_677 = arith.constant 25 : i32
      %parallel_loop3A_678 = arith.addi %parallel_loop3A_472, %parallel_loop3A_677 : i32
      %parallel_loop3A_679 = vector.broadcast %parallel_loop3A_678 : i32 to vector<16xi32>
      %parallel_loop3A_680 = arith.addi %mul3A_5, %parallel_loop3A_679 : vector<16xi32>
      tpu.vector_store_idx %arg7[%parallel_loop3A_680], %parallel_loop3A_676 : memref<25088xf32, #tpu.memory_space<vmem>>[vector<16xi32>], vector<16xf32>,
      %parallel_loop3A_681 = arith.constant 26 : i32
      %parallel_loop3A_682 = vector.broadcast %parallel_loop3A_681 : i32 to vector<16xi32>
      %parallel_loop3A_683 = arith.addi %parallel_loop3A_470, %parallel_loop3A_682 : vector<16xi32>
      %parallel_loop3A_684 = tpu.vector_load_idx %arg5[%parallel_loop3A_683] : memref<32768xf32, #tpu.memory_space<vmem>>[vector<16xi32>], vector<16xf32>,
      %parallel_loop3A_685 = arith.constant 26 : i32
      %parallel_loop3A_686 = arith.addi %parallel_loop3A_472, %parallel_loop3A_685 : i32
      %parallel_loop3A_687 = vector.broadcast %parallel_loop3A_686 : i32 to vector<16xi32>
      %parallel_loop3A_688 = arith.addi %mul3A_5, %parallel_loop3A_687 : vector<16xi32>
      tpu.vector_store_idx %arg7[%parallel_loop3A_688], %parallel_loop3A_684 : memref<25088xf32, #tpu.memory_space<vmem>>[vector<16xi32>], vector<16xf32>,
      %parallel_loop3A_689 = arith.constant 27 : i32
      %parallel_loop3A_690 = vector.broadcast %parallel_loop3A_689 : i32 to vector<16xi32>
      %parallel_loop3A_691 = arith.addi %parallel_loop3A_470, %parallel_loop3A_690 : vector<16xi32>
      %parallel_loop3A_692 = tpu.vector_load_idx %arg5[%parallel_loop3A_691] : memref<32768xf32, #tpu.memory_space<vmem>>[vector<16xi32>], vector<16xf32>,
      %parallel_loop3A_693 = arith.constant 27 : i32
      %parallel_loop3A_694 = arith.addi %parallel_loop3A_472, %parallel_loop3A_693 : i32
      %parallel_loop3A_695 = vector.broadcast %parallel_loop3A_694 : i32 to vector<16xi32>
      %parallel_loop3A_696 = arith.addi %mul3A_5, %parallel_loop3A_695 : vector<16xi32>
      tpu.vector_store_idx %arg7[%parallel_loop3A_696], %parallel_loop3A_692 : memref<25088xf32, #tpu.memory_space<vmem>>[vector<16xi32>], vector<16xf32>,
      %parallel_loop3A_697 = arith.constant 28 : i32
      %parallel_loop3A_698 = vector.broadcast %parallel_loop3A_697 : i32 to vector<16xi32>
      %parallel_loop3A_699 = arith.addi %parallel_loop3A_470, %parallel_loop3A_698 : vector<16xi32>
      %parallel_loop3A_700 = tpu.vector_load_idx %arg5[%parallel_loop3A_699] : memref<32768xf32, #tpu.memory_space<vmem>>[vector<16xi32>], vector<16xf32>,
      %parallel_loop3A_701 = arith.constant 28 : i32
      %parallel_loop3A_702 = arith.addi %parallel_loop3A_472, %parallel_loop3A_701 : i32
      %parallel_loop3A_703 = vector.broadcast %parallel_loop3A_702 : i32 to vector<16xi32>
      %parallel_loop3A_704 = arith.addi %mul3A_5, %parallel_loop3A_703 : vector<16xi32>
      tpu.vector_store_idx %arg7[%parallel_loop3A_704], %parallel_loop3A_700 : memref<25088xf32, #tpu.memory_space<vmem>>[vector<16xi32>], vector<16xf32>,
      %parallel_loop3A_705 = arith.constant 29 : i32
      %parallel_loop3A_706 = vector.broadcast %parallel_loop3A_705 : i32 to vector<16xi32>
      %parallel_loop3A_707 = arith.addi %parallel_loop3A_470, %parallel_loop3A_706 : vector<16xi32>
      %parallel_loop3A_708 = tpu.vector_load_idx %arg5[%parallel_loop3A_707] : memref<32768xf32, #tpu.memory_space<vmem>>[vector<16xi32>], vector<16xf32>,
      %parallel_loop3A_709 = arith.constant 29 : i32
      %parallel_loop3A_710 = arith.addi %parallel_loop3A_472, %parallel_loop3A_709 : i32
      %parallel_loop3A_711 = vector.broadcast %parallel_loop3A_710 : i32 to vector<16xi32>
      %parallel_loop3A_712 = arith.addi %mul3A_5, %parallel_loop3A_711 : vector<16xi32>
      tpu.vector_store_idx %arg7[%parallel_loop3A_712], %parallel_loop3A_708 : memref<25088xf32, #tpu.memory_space<vmem>>[vector<16xi32>], vector<16xf32>,
      %parallel_loop3A_713 = arith.constant 30 : i32
      %parallel_loop3A_714 = vector.broadcast %parallel_loop3A_713 : i32 to vector<16xi32>
      %parallel_loop3A_715 = arith.addi %parallel_loop3A_470, %parallel_loop3A_714 : vector<16xi32>
      %parallel_loop3A_716 = tpu.vector_load_idx %arg5[%parallel_loop3A_715] : memref<32768xf32, #tpu.memory_space<vmem>>[vector<16xi32>], vector<16xf32>,
      %parallel_loop3A_717 = arith.constant 30 : i32
      %parallel_loop3A_718 = arith.addi %parallel_loop3A_472, %parallel_loop3A_717 : i32
      %parallel_loop3A_719 = vector.broadcast %parallel_loop3A_718 : i32 to vector<16xi32>
      %parallel_loop3A_720 = arith.addi %mul3A_5, %parallel_loop3A_719 : vector<16xi32>
      tpu.vector_store_idx %arg7[%parallel_loop3A_720], %parallel_loop3A_716 : memref<25088xf32, #tpu.memory_space<vmem>>[vector<16xi32>], vector<16xf32>,
      %parallel_loop3A_721 = arith.constant 31 : i32
      %parallel_loop3A_722 = vector.broadcast %parallel_loop3A_721 : i32 to vector<16xi32>
      %parallel_loop3A_723 = arith.addi %parallel_loop3A_470, %parallel_loop3A_722 : vector<16xi32>
      %parallel_loop3A_724 = tpu.vector_load_idx %arg5[%parallel_loop3A_723] : memref<32768xf32, #tpu.memory_space<vmem>>[vector<16xi32>], vector<16xf32>,
      %parallel_loop3A_725 = arith.constant 31 : i32
      %parallel_loop3A_726 = arith.addi %parallel_loop3A_472, %parallel_loop3A_725 : i32
      %parallel_loop3A_727 = vector.broadcast %parallel_loop3A_726 : i32 to vector<16xi32>
      %parallel_loop3A_728 = arith.addi %mul3A_5, %parallel_loop3A_727 : vector<16xi32>
      tpu.vector_store_idx %arg7[%parallel_loop3A_728], %parallel_loop3A_724 : memref<25088xf32, #tpu.memory_space<vmem>>[vector<16xi32>], vector<16xf32>,
      %parallel_loop3A_729 = arith.constant 32 : i32
      %parallel_loop3A_730 = vector.broadcast %parallel_loop3A_729 : i32 to vector<16xi32>
      %parallel_loop3A_731 = arith.addi %parallel_loop3A_470, %parallel_loop3A_730 : vector<16xi32>
      %parallel_loop3A_732 = tpu.vector_load_idx %arg5[%parallel_loop3A_731] : memref<32768xf32, #tpu.memory_space<vmem>>[vector<16xi32>], vector<16xf32>,
      %parallel_loop3A_733 = arith.constant 32 : i32
      %parallel_loop3A_734 = arith.addi %parallel_loop3A_472, %parallel_loop3A_733 : i32
      %parallel_loop3A_735 = vector.broadcast %parallel_loop3A_734 : i32 to vector<16xi32>
      %parallel_loop3A_736 = arith.addi %mul3A_5, %parallel_loop3A_735 : vector<16xi32>
      tpu.vector_store_idx %arg7[%parallel_loop3A_736], %parallel_loop3A_732 : memref<25088xf32, #tpu.memory_space<vmem>>[vector<16xi32>], vector<16xf32>,
      %parallel_loop3A_737 = arith.constant 33 : i32
      %parallel_loop3A_738 = vector.broadcast %parallel_loop3A_737 : i32 to vector<16xi32>
      %parallel_loop3A_739 = arith.addi %parallel_loop3A_470, %parallel_loop3A_738 : vector<16xi32>
      %parallel_loop3A_740 = tpu.vector_load_idx %arg5[%parallel_loop3A_739] : memref<32768xf32, #tpu.memory_space<vmem>>[vector<16xi32>], vector<16xf32>,
      %parallel_loop3A_741 = arith.constant 33 : i32
      %parallel_loop3A_742 = arith.addi %parallel_loop3A_472, %parallel_loop3A_741 : i32
      %parallel_loop3A_743 = vector.broadcast %parallel_loop3A_742 : i32 to vector<16xi32>
      %parallel_loop3A_744 = arith.addi %mul3A_5, %parallel_loop3A_743 : vector<16xi32>
      tpu.vector_store_idx %arg7[%parallel_loop3A_744], %parallel_loop3A_740 : memref<25088xf32, #tpu.memory_space<vmem>>[vector<16xi32>], vector<16xf32>,
      %parallel_loop3A_745 = arith.constant 34 : i32
      %parallel_loop3A_746 = vector.broadcast %parallel_loop3A_745 : i32 to vector<16xi32>
      %parallel_loop3A_747 = arith.addi %parallel_loop3A_470, %parallel_loop3A_746 : vector<16xi32>
      %parallel_loop3A_748 = tpu.vector_load_idx %arg5[%parallel_loop3A_747] : memref<32768xf32, #tpu.memory_space<vmem>>[vector<16xi32>], vector<16xf32>,
      %parallel_loop3A_749 = arith.constant 34 : i32
      %parallel_loop3A_750 = arith.addi %parallel_loop3A_472, %parallel_loop3A_749 : i32
      %parallel_loop3A_751 = vector.broadcast %parallel_loop3A_750 : i32 to vector<16xi32>
      %parallel_loop3A_752 = arith.addi %mul3A_5, %parallel_loop3A_751 : vector<16xi32>
      tpu.vector_store_idx %arg7[%parallel_loop3A_752], %parallel_loop3A_748 : memref<25088xf32, #tpu.memory_space<vmem>>[vector<16xi32>], vector<16xf32>,
      %parallel_loop3A_753 = arith.constant 35 : i32
      %parallel_loop3A_754 = vector.broadcast %parallel_loop3A_753 : i32 to vector<16xi32>
      %parallel_loop3A_755 = arith.addi %parallel_loop3A_470, %parallel_loop3A_754 : vector<16xi32>
      %parallel_loop3A_756 = tpu.vector_load_idx %arg5[%parallel_loop3A_755] : memref<32768xf32, #tpu.memory_space<vmem>>[vector<16xi32>], vector<16xf32>,
      %parallel_loop3A_757 = arith.constant 35 : i32
      %parallel_loop3A_758 = arith.addi %parallel_loop3A_472, %parallel_loop3A_757 : i32
      %parallel_loop3A_759 = vector.broadcast %parallel_loop3A_758 : i32 to vector<16xi32>
      %parallel_loop3A_760 = arith.addi %mul3A_5, %parallel_loop3A_759 : vector<16xi32>
      tpu.vector_store_idx %arg7[%parallel_loop3A_760], %parallel_loop3A_756 : memref<25088xf32, #tpu.memory_space<vmem>>[vector<16xi32>], vector<16xf32>,
      %parallel_loop3A_761 = arith.constant 36 : i32
      %parallel_loop3A_762 = vector.broadcast %parallel_loop3A_761 : i32 to vector<16xi32>
      %parallel_loop3A_763 = arith.addi %parallel_loop3A_470, %parallel_loop3A_762 : vector<16xi32>
      %parallel_loop3A_764 = tpu.vector_load_idx %arg5[%parallel_loop3A_763] : memref<32768xf32, #tpu.memory_space<vmem>>[vector<16xi32>], vector<16xf32>,
      %parallel_loop3A_765 = arith.constant 36 : i32
      %parallel_loop3A_766 = arith.addi %parallel_loop3A_472, %parallel_loop3A_765 : i32
      %parallel_loop3A_767 = vector.broadcast %parallel_loop3A_766 : i32 to vector<16xi32>
      %parallel_loop3A_768 = arith.addi %mul3A_5, %parallel_loop3A_767 : vector<16xi32>
      tpu.vector_store_idx %arg7[%parallel_loop3A_768], %parallel_loop3A_764 : memref<25088xf32, #tpu.memory_space<vmem>>[vector<16xi32>], vector<16xf32>,
      %parallel_loop3A_769 = arith.constant 37 : i32
      %parallel_loop3A_770 = vector.broadcast %parallel_loop3A_769 : i32 to vector<16xi32>
      %parallel_loop3A_771 = arith.addi %parallel_loop3A_470, %parallel_loop3A_770 : vector<16xi32>
      %parallel_loop3A_772 = tpu.vector_load_idx %arg5[%parallel_loop3A_771] : memref<32768xf32, #tpu.memory_space<vmem>>[vector<16xi32>], vector<16xf32>,
      %parallel_loop3A_773 = arith.constant 37 : i32
      %parallel_loop3A_774 = arith.addi %parallel_loop3A_472, %parallel_loop3A_773 : i32
      %parallel_loop3A_775 = vector.broadcast %parallel_loop3A_774 : i32 to vector<16xi32>
      %parallel_loop3A_776 = arith.addi %mul3A_5, %parallel_loop3A_775 : vector<16xi32>
      tpu.vector_store_idx %arg7[%parallel_loop3A_776], %parallel_loop3A_772 : memref<25088xf32, #tpu.memory_space<vmem>>[vector<16xi32>], vector<16xf32>,
      %parallel_loop3A_777 = arith.constant 38 : i32
      %parallel_loop3A_778 = vector.broadcast %parallel_loop3A_777 : i32 to vector<16xi32>
      %parallel_loop3A_779 = arith.addi %parallel_loop3A_470, %parallel_loop3A_778 : vector<16xi32>
      %parallel_loop3A_780 = tpu.vector_load_idx %arg5[%parallel_loop3A_779] : memref<32768xf32, #tpu.memory_space<vmem>>[vector<16xi32>], vector<16xf32>,
      %parallel_loop3A_781 = arith.constant 38 : i32
      %parallel_loop3A_782 = arith.addi %parallel_loop3A_472, %parallel_loop3A_781 : i32
      %parallel_loop3A_783 = vector.broadcast %parallel_loop3A_782 : i32 to vector<16xi32>
      %parallel_loop3A_784 = arith.addi %mul3A_5, %parallel_loop3A_783 : vector<16xi32>
      tpu.vector_store_idx %arg7[%parallel_loop3A_784], %parallel_loop3A_780 : memref<25088xf32, #tpu.memory_space<vmem>>[vector<16xi32>], vector<16xf32>,
      %parallel_loop3A_785 = arith.constant 39 : i32
      %parallel_loop3A_786 = vector.broadcast %parallel_loop3A_785 : i32 to vector<16xi32>
      %parallel_loop3A_787 = arith.addi %parallel_loop3A_470, %parallel_loop3A_786 : vector<16xi32>
      %parallel_loop3A_788 = tpu.vector_load_idx %arg5[%parallel_loop3A_787] : memref<32768xf32, #tpu.memory_space<vmem>>[vector<16xi32>], vector<16xf32>,
      %parallel_loop3A_789 = arith.constant 39 : i32
      %parallel_loop3A_790 = arith.addi %parallel_loop3A_472, %parallel_loop3A_789 : i32
      %parallel_loop3A_791 = vector.broadcast %parallel_loop3A_790 : i32 to vector<16xi32>
      %parallel_loop3A_792 = arith.addi %mul3A_5, %parallel_loop3A_791 : vector<16xi32>
      tpu.vector_store_idx %arg7[%parallel_loop3A_792], %parallel_loop3A_788 : memref<25088xf32, #tpu.memory_space<vmem>>[vector<16xi32>], vector<16xf32>,
      %parallel_loop3A_793 = arith.constant 40 : i32
      %parallel_loop3A_794 = vector.broadcast %parallel_loop3A_793 : i32 to vector<16xi32>
      %parallel_loop3A_795 = arith.addi %parallel_loop3A_470, %parallel_loop3A_794 : vector<16xi32>
      %parallel_loop3A_796 = tpu.vector_load_idx %arg5[%parallel_loop3A_795] : memref<32768xf32, #tpu.memory_space<vmem>>[vector<16xi32>], vector<16xf32>,
      %parallel_loop3A_797 = arith.constant 40 : i32
      %parallel_loop3A_798 = arith.addi %parallel_loop3A_472, %parallel_loop3A_797 : i32
      %parallel_loop3A_799 = vector.broadcast %parallel_loop3A_798 : i32 to vector<16xi32>
      %parallel_loop3A_800 = arith.addi %mul3A_5, %parallel_loop3A_799 : vector<16xi32>
      tpu.vector_store_idx %arg7[%parallel_loop3A_800], %parallel_loop3A_796 : memref<25088xf32, #tpu.memory_space<vmem>>[vector<16xi32>], vector<16xf32>,
      %parallel_loop3A_801 = arith.constant 41 : i32
      %parallel_loop3A_802 = vector.broadcast %parallel_loop3A_801 : i32 to vector<16xi32>
      %parallel_loop3A_803 = arith.addi %parallel_loop3A_470, %parallel_loop3A_802 : vector<16xi32>
      %parallel_loop3A_804 = tpu.vector_load_idx %arg5[%parallel_loop3A_803] : memref<32768xf32, #tpu.memory_space<vmem>>[vector<16xi32>], vector<16xf32>,
      %parallel_loop3A_805 = arith.constant 41 : i32
      %parallel_loop3A_806 = arith.addi %parallel_loop3A_472, %parallel_loop3A_805 : i32
      %parallel_loop3A_807 = vector.broadcast %parallel_loop3A_806 : i32 to vector<16xi32>
      %parallel_loop3A_808 = arith.addi %mul3A_5, %parallel_loop3A_807 : vector<16xi32>
      tpu.vector_store_idx %arg7[%parallel_loop3A_808], %parallel_loop3A_804 : memref<25088xf32, #tpu.memory_space<vmem>>[vector<16xi32>], vector<16xf32>,
      %parallel_loop3A_809 = arith.constant 42 : i32
      %parallel_loop3A_810 = vector.broadcast %parallel_loop3A_809 : i32 to vector<16xi32>
      %parallel_loop3A_811 = arith.addi %parallel_loop3A_470, %parallel_loop3A_810 : vector<16xi32>
      %parallel_loop3A_812 = tpu.vector_load_idx %arg5[%parallel_loop3A_811] : memref<32768xf32, #tpu.memory_space<vmem>>[vector<16xi32>], vector<16xf32>,
      %parallel_loop3A_813 = arith.constant 42 : i32
      %parallel_loop3A_814 = arith.addi %parallel_loop3A_472, %parallel_loop3A_813 : i32
      %parallel_loop3A_815 = vector.broadcast %parallel_loop3A_814 : i32 to vector<16xi32>
      %parallel_loop3A_816 = arith.addi %mul3A_5, %parallel_loop3A_815 : vector<16xi32>
      tpu.vector_store_idx %arg7[%parallel_loop3A_816], %parallel_loop3A_812 : memref<25088xf32, #tpu.memory_space<vmem>>[vector<16xi32>], vector<16xf32>,
      %parallel_loop3A_817 = arith.constant 43 : i32
      %parallel_loop3A_818 = vector.broadcast %parallel_loop3A_817 : i32 to vector<16xi32>
      %parallel_loop3A_819 = arith.addi %parallel_loop3A_470, %parallel_loop3A_818 : vector<16xi32>
      %parallel_loop3A_820 = tpu.vector_load_idx %arg5[%parallel_loop3A_819] : memref<32768xf32, #tpu.memory_space<vmem>>[vector<16xi32>], vector<16xf32>,
      %parallel_loop3A_821 = arith.constant 43 : i32
      %parallel_loop3A_822 = arith.addi %parallel_loop3A_472, %parallel_loop3A_821 : i32
      %parallel_loop3A_823 = vector.broadcast %parallel_loop3A_822 : i32 to vector<16xi32>
      %parallel_loop3A_824 = arith.addi %mul3A_5, %parallel_loop3A_823 : vector<16xi32>
      tpu.vector_store_idx %arg7[%parallel_loop3A_824], %parallel_loop3A_820 : memref<25088xf32, #tpu.memory_space<vmem>>[vector<16xi32>], vector<16xf32>,
      %parallel_loop3A_825 = arith.constant 44 : i32
      %parallel_loop3A_826 = vector.broadcast %parallel_loop3A_825 : i32 to vector<16xi32>
      %parallel_loop3A_827 = arith.addi %parallel_loop3A_470, %parallel_loop3A_826 : vector<16xi32>
      %parallel_loop3A_828 = tpu.vector_load_idx %arg5[%parallel_loop3A_827] : memref<32768xf32, #tpu.memory_space<vmem>>[vector<16xi32>], vector<16xf32>,
      %parallel_loop3A_829 = arith.constant 44 : i32
      %parallel_loop3A_830 = arith.addi %parallel_loop3A_472, %parallel_loop3A_829 : i32
      %parallel_loop3A_831 = vector.broadcast %parallel_loop3A_830 : i32 to vector<16xi32>
      %parallel_loop3A_832 = arith.addi %mul3A_5, %parallel_loop3A_831 : vector<16xi32>
      tpu.vector_store_idx %arg7[%parallel_loop3A_832], %parallel_loop3A_828 : memref<25088xf32, #tpu.memory_space<vmem>>[vector<16xi32>], vector<16xf32>,
      %parallel_loop3A_833 = arith.constant 45 : i32
      %parallel_loop3A_834 = vector.broadcast %parallel_loop3A_833 : i32 to vector<16xi32>
      %parallel_loop3A_835 = arith.addi %parallel_loop3A_470, %parallel_loop3A_834 : vector<16xi32>
      %parallel_loop3A_836 = tpu.vector_load_idx %arg5[%parallel_loop3A_835] : memref<32768xf32, #tpu.memory_space<vmem>>[vector<16xi32>], vector<16xf32>,
      %parallel_loop3A_837 = arith.constant 45 : i32
      %parallel_loop3A_838 = arith.addi %parallel_loop3A_472, %parallel_loop3A_837 : i32
      %parallel_loop3A_839 = vector.broadcast %parallel_loop3A_838 : i32 to vector<16xi32>
      %parallel_loop3A_840 = arith.addi %mul3A_5, %parallel_loop3A_839 : vector<16xi32>
      tpu.vector_store_idx %arg7[%parallel_loop3A_840], %parallel_loop3A_836 : memref<25088xf32, #tpu.memory_space<vmem>>[vector<16xi32>], vector<16xf32>,
      %parallel_loop3A_841 = arith.constant 46 : i32
      %parallel_loop3A_842 = vector.broadcast %parallel_loop3A_841 : i32 to vector<16xi32>
      %parallel_loop3A_843 = arith.addi %parallel_loop3A_470, %parallel_loop3A_842 : vector<16xi32>
      %parallel_loop3A_844 = tpu.vector_load_idx %arg5[%parallel_loop3A_843] : memref<32768xf32, #tpu.memory_space<vmem>>[vector<16xi32>], vector<16xf32>,
      %parallel_loop3A_845 = arith.constant 46 : i32
      %parallel_loop3A_846 = arith.addi %parallel_loop3A_472, %parallel_loop3A_845 : i32
      %parallel_loop3A_847 = vector.broadcast %parallel_loop3A_846 : i32 to vector<16xi32>
      %parallel_loop3A_848 = arith.addi %mul3A_5, %parallel_loop3A_847 : vector<16xi32>
      tpu.vector_store_idx %arg7[%parallel_loop3A_848], %parallel_loop3A_844 : memref<25088xf32, #tpu.memory_space<vmem>>[vector<16xi32>], vector<16xf32>,
      %parallel_loop3A_849 = arith.constant 47 : i32
      %parallel_loop3A_850 = vector.broadcast %parallel_loop3A_849 : i32 to vector<16xi32>
      %parallel_loop3A_851 = arith.addi %parallel_loop3A_470, %parallel_loop3A_850 : vector<16xi32>
      %parallel_loop3A_852 = tpu.vector_load_idx %arg5[%parallel_loop3A_851] : memref<32768xf32, #tpu.memory_space<vmem>>[vector<16xi32>], vector<16xf32>,
      %parallel_loop3A_853 = arith.constant 47 : i32
      %parallel_loop3A_854 = arith.addi %parallel_loop3A_472, %parallel_loop3A_853 : i32
      %parallel_loop3A_855 = vector.broadcast %parallel_loop3A_854 : i32 to vector<16xi32>
      %parallel_loop3A_856 = arith.addi %mul3A_5, %parallel_loop3A_855 : vector<16xi32>
      tpu.vector_store_idx %arg7[%parallel_loop3A_856], %parallel_loop3A_852 : memref<25088xf32, #tpu.memory_space<vmem>>[vector<16xi32>], vector<16xf32>,
      %parallel_loop3A_857 = arith.constant 48 : i32
      %parallel_loop3A_858 = vector.broadcast %parallel_loop3A_857 : i32 to vector<16xi32>
      %parallel_loop3A_859 = arith.addi %parallel_loop3A_470, %parallel_loop3A_858 : vector<16xi32>
      %parallel_loop3A_860 = tpu.vector_load_idx %arg5[%parallel_loop3A_859] : memref<32768xf32, #tpu.memory_space<vmem>>[vector<16xi32>], vector<16xf32>,
      %parallel_loop3A_861 = arith.constant 48 : i32
      %parallel_loop3A_862 = arith.addi %parallel_loop3A_472, %parallel_loop3A_861 : i32
      %parallel_loop3A_863 = vector.broadcast %parallel_loop3A_862 : i32 to vector<16xi32>
      %parallel_loop3A_864 = arith.addi %mul3A_5, %parallel_loop3A_863 : vector<16xi32>
      tpu.vector_store_idx %arg7[%parallel_loop3A_864], %parallel_loop3A_860 : memref<25088xf32, #tpu.memory_space<vmem>>[vector<16xi32>], vector<16xf32>,
      %parallel_loop3A_865 = arith.constant 49 : i32
      %parallel_loop3A_866 = vector.broadcast %parallel_loop3A_865 : i32 to vector<16xi32>
      %parallel_loop3A_867 = arith.addi %parallel_loop3A_470, %parallel_loop3A_866 : vector<16xi32>
      %parallel_loop3A_868 = tpu.vector_load_idx %arg5[%parallel_loop3A_867] : memref<32768xf32, #tpu.memory_space<vmem>>[vector<16xi32>], vector<16xf32>,
      %parallel_loop3A_869 = arith.constant 49 : i32
      %parallel_loop3A_870 = arith.addi %parallel_loop3A_472, %parallel_loop3A_869 : i32
      %parallel_loop3A_871 = vector.broadcast %parallel_loop3A_870 : i32 to vector<16xi32>
      %parallel_loop3A_872 = arith.addi %mul3A_5, %parallel_loop3A_871 : vector<16xi32>
      tpu.vector_store_idx %arg7[%parallel_loop3A_872], %parallel_loop3A_868 : memref<25088xf32, #tpu.memory_space<vmem>>[vector<16xi32>], vector<16xf32>,
      %parallel_loop3A_873 = arith.constant 50 : i32
      %parallel_loop3A_874 = vector.broadcast %parallel_loop3A_873 : i32 to vector<16xi32>
      %parallel_loop3A_875 = arith.addi %parallel_loop3A_470, %parallel_loop3A_874 : vector<16xi32>
      %parallel_loop3A_876 = tpu.vector_load_idx %arg5[%parallel_loop3A_875] : memref<32768xf32, #tpu.memory_space<vmem>>[vector<16xi32>], vector<16xf32>,
      %parallel_loop3A_877 = arith.constant 50 : i32
      %parallel_loop3A_878 = arith.addi %parallel_loop3A_472, %parallel_loop3A_877 : i32
      %parallel_loop3A_879 = vector.broadcast %parallel_loop3A_878 : i32 to vector<16xi32>
      %parallel_loop3A_880 = arith.addi %mul3A_5, %parallel_loop3A_879 : vector<16xi32>
      tpu.vector_store_idx %arg7[%parallel_loop3A_880], %parallel_loop3A_876 : memref<25088xf32, #tpu.memory_space<vmem>>[vector<16xi32>], vector<16xf32>,
      %parallel_loop3A_881 = arith.constant 51 : i32
      %parallel_loop3A_882 = vector.broadcast %parallel_loop3A_881 : i32 to vector<16xi32>
      %parallel_loop3A_883 = arith.addi %parallel_loop3A_470, %parallel_loop3A_882 : vector<16xi32>
      %parallel_loop3A_884 = tpu.vector_load_idx %arg5[%parallel_loop3A_883] : memref<32768xf32, #tpu.memory_space<vmem>>[vector<16xi32>], vector<16xf32>,
      %parallel_loop3A_885 = arith.constant 51 : i32
      %parallel_loop3A_886 = arith.addi %parallel_loop3A_472, %parallel_loop3A_885 : i32
      %parallel_loop3A_887 = vector.broadcast %parallel_loop3A_886 : i32 to vector<16xi32>
      %parallel_loop3A_888 = arith.addi %mul3A_5, %parallel_loop3A_887 : vector<16xi32>
      tpu.vector_store_idx %arg7[%parallel_loop3A_888], %parallel_loop3A_884 : memref<25088xf32, #tpu.memory_space<vmem>>[vector<16xi32>], vector<16xf32>,
      %parallel_loop3A_889 = arith.constant 52 : i32
      %parallel_loop3A_890 = vector.broadcast %parallel_loop3A_889 : i32 to vector<16xi32>
      %parallel_loop3A_891 = arith.addi %parallel_loop3A_470, %parallel_loop3A_890 : vector<16xi32>
      %parallel_loop3A_892 = tpu.vector_load_idx %arg5[%parallel_loop3A_891] : memref<32768xf32, #tpu.memory_space<vmem>>[vector<16xi32>], vector<16xf32>,
      %parallel_loop3A_893 = arith.constant 52 : i32
      %parallel_loop3A_894 = arith.addi %parallel_loop3A_472, %parallel_loop3A_893 : i32
      %parallel_loop3A_895 = vector.broadcast %parallel_loop3A_894 : i32 to vector<16xi32>
      %parallel_loop3A_896 = arith.addi %mul3A_5, %parallel_loop3A_895 : vector<16xi32>
      tpu.vector_store_idx %arg7[%parallel_loop3A_896], %parallel_loop3A_892 : memref<25088xf32, #tpu.memory_space<vmem>>[vector<16xi32>], vector<16xf32>,
      %parallel_loop3A_897 = arith.constant 53 : i32
      %parallel_loop3A_898 = vector.broadcast %parallel_loop3A_897 : i32 to vector<16xi32>
      %parallel_loop3A_899 = arith.addi %parallel_loop3A_470, %parallel_loop3A_898 : vector<16xi32>
      %parallel_loop3A_900 = tpu.vector_load_idx %arg5[%parallel_loop3A_899] : memref<32768xf32, #tpu.memory_space<vmem>>[vector<16xi32>], vector<16xf32>,
      %parallel_loop3A_901 = arith.constant 53 : i32
      %parallel_loop3A_902 = arith.addi %parallel_loop3A_472, %parallel_loop3A_901 : i32
      %parallel_loop3A_903 = vector.broadcast %parallel_loop3A_902 : i32 to vector<16xi32>
      %parallel_loop3A_904 = arith.addi %mul3A_5, %parallel_loop3A_903 : vector<16xi32>
      tpu.vector_store_idx %arg7[%parallel_loop3A_904], %parallel_loop3A_900 : memref<25088xf32, #tpu.memory_space<vmem>>[vector<16xi32>], vector<16xf32>,
      %parallel_loop3A_905 = arith.constant 54 : i32
      %parallel_loop3A_906 = vector.broadcast %parallel_loop3A_905 : i32 to vector<16xi32>
      %parallel_loop3A_907 = arith.addi %parallel_loop3A_470, %parallel_loop3A_906 : vector<16xi32>
      %parallel_loop3A_908 = tpu.vector_load_idx %arg5[%parallel_loop3A_907] : memref<32768xf32, #tpu.memory_space<vmem>>[vector<16xi32>], vector<16xf32>,
      %parallel_loop3A_909 = arith.constant 54 : i32
      %parallel_loop3A_910 = arith.addi %parallel_loop3A_472, %parallel_loop3A_909 : i32
      %parallel_loop3A_911 = vector.broadcast %parallel_loop3A_910 : i32 to vector<16xi32>
      %parallel_loop3A_912 = arith.addi %mul3A_5, %parallel_loop3A_911 : vector<16xi32>
      tpu.vector_store_idx %arg7[%parallel_loop3A_912], %parallel_loop3A_908 : memref<25088xf32, #tpu.memory_space<vmem>>[vector<16xi32>], vector<16xf32>,
      %parallel_loop3A_913 = arith.constant 55 : i32
      %parallel_loop3A_914 = vector.broadcast %parallel_loop3A_913 : i32 to vector<16xi32>
      %parallel_loop3A_915 = arith.addi %parallel_loop3A_470, %parallel_loop3A_914 : vector<16xi32>
      %parallel_loop3A_916 = tpu.vector_load_idx %arg5[%parallel_loop3A_915] : memref<32768xf32, #tpu.memory_space<vmem>>[vector<16xi32>], vector<16xf32>,
      %parallel_loop3A_917 = arith.constant 55 : i32
      %parallel_loop3A_918 = arith.addi %parallel_loop3A_472, %parallel_loop3A_917 : i32
      %parallel_loop3A_919 = vector.broadcast %parallel_loop3A_918 : i32 to vector<16xi32>
      %parallel_loop3A_920 = arith.addi %mul3A_5, %parallel_loop3A_919 : vector<16xi32>
      tpu.vector_store_idx %arg7[%parallel_loop3A_920], %parallel_loop3A_916 : memref<25088xf32, #tpu.memory_space<vmem>>[vector<16xi32>], vector<16xf32>,
      %parallel_loop3A_921 = arith.constant 56 : i32
      %parallel_loop3A_922 = vector.broadcast %parallel_loop3A_921 : i32 to vector<16xi32>
      %parallel_loop3A_923 = arith.addi %parallel_loop3A_470, %parallel_loop3A_922 : vector<16xi32>
      %parallel_loop3A_924 = tpu.vector_load_idx %arg5[%parallel_loop3A_923] : memref<32768xf32, #tpu.memory_space<vmem>>[vector<16xi32>], vector<16xf32>,
      %parallel_loop3A_925 = arith.constant 56 : i32
      %parallel_loop3A_926 = arith.addi %parallel_loop3A_472, %parallel_loop3A_925 : i32
      %parallel_loop3A_927 = vector.broadcast %parallel_loop3A_926 : i32 to vector<16xi32>
      %parallel_loop3A_928 = arith.addi %mul3A_5, %parallel_loop3A_927 : vector<16xi32>
      tpu.vector_store_idx %arg7[%parallel_loop3A_928], %parallel_loop3A_924 : memref<25088xf32, #tpu.memory_space<vmem>>[vector<16xi32>], vector<16xf32>,
      %parallel_loop3A_929 = arith.constant 57 : i32
      %parallel_loop3A_930 = vector.broadcast %parallel_loop3A_929 : i32 to vector<16xi32>
      %parallel_loop3A_931 = arith.addi %parallel_loop3A_470, %parallel_loop3A_930 : vector<16xi32>
      %parallel_loop3A_932 = tpu.vector_load_idx %arg5[%parallel_loop3A_931] : memref<32768xf32, #tpu.memory_space<vmem>>[vector<16xi32>], vector<16xf32>,
      %parallel_loop3A_933 = arith.constant 57 : i32
      %parallel_loop3A_934 = arith.addi %parallel_loop3A_472, %parallel_loop3A_933 : i32
      %parallel_loop3A_935 = vector.broadcast %parallel_loop3A_934 : i32 to vector<16xi32>
      %parallel_loop3A_936 = arith.addi %mul3A_5, %parallel_loop3A_935 : vector<16xi32>
      tpu.vector_store_idx %arg7[%parallel_loop3A_936], %parallel_loop3A_932 : memref<25088xf32, #tpu.memory_space<vmem>>[vector<16xi32>], vector<16xf32>,
      %parallel_loop3A_937 = arith.constant 58 : i32
      %parallel_loop3A_938 = vector.broadcast %parallel_loop3A_937 : i32 to vector<16xi32>
      %parallel_loop3A_939 = arith.addi %parallel_loop3A_470, %parallel_loop3A_938 : vector<16xi32>
      %parallel_loop3A_940 = tpu.vector_load_idx %arg5[%parallel_loop3A_939] : memref<32768xf32, #tpu.memory_space<vmem>>[vector<16xi32>], vector<16xf32>,
      %parallel_loop3A_941 = arith.constant 58 : i32
      %parallel_loop3A_942 = arith.addi %parallel_loop3A_472, %parallel_loop3A_941 : i32
      %parallel_loop3A_943 = vector.broadcast %parallel_loop3A_942 : i32 to vector<16xi32>
      %parallel_loop3A_944 = arith.addi %mul3A_5, %parallel_loop3A_943 : vector<16xi32>
      tpu.vector_store_idx %arg7[%parallel_loop3A_944], %parallel_loop3A_940 : memref<25088xf32, #tpu.memory_space<vmem>>[vector<16xi32>], vector<16xf32>,
      %parallel_loop3A_945 = arith.constant 59 : i32
      %parallel_loop3A_946 = vector.broadcast %parallel_loop3A_945 : i32 to vector<16xi32>
      %parallel_loop3A_947 = arith.addi %parallel_loop3A_470, %parallel_loop3A_946 : vector<16xi32>
      %parallel_loop3A_948 = tpu.vector_load_idx %arg5[%parallel_loop3A_947] : memref<32768xf32, #tpu.memory_space<vmem>>[vector<16xi32>], vector<16xf32>,
      %parallel_loop3A_949 = arith.constant 59 : i32
      %parallel_loop3A_950 = arith.addi %parallel_loop3A_472, %parallel_loop3A_949 : i32
      %parallel_loop3A_951 = vector.broadcast %parallel_loop3A_950 : i32 to vector<16xi32>
      %parallel_loop3A_952 = arith.addi %mul3A_5, %parallel_loop3A_951 : vector<16xi32>
      tpu.vector_store_idx %arg7[%parallel_loop3A_952], %parallel_loop3A_948 : memref<25088xf32, #tpu.memory_space<vmem>>[vector<16xi32>], vector<16xf32>,
      %parallel_loop3A_953 = arith.constant 60 : i32
      %parallel_loop3A_954 = vector.broadcast %parallel_loop3A_953 : i32 to vector<16xi32>
      %parallel_loop3A_955 = arith.addi %parallel_loop3A_470, %parallel_loop3A_954 : vector<16xi32>
      %parallel_loop3A_956 = tpu.vector_load_idx %arg5[%parallel_loop3A_955] : memref<32768xf32, #tpu.memory_space<vmem>>[vector<16xi32>], vector<16xf32>,
      %parallel_loop3A_957 = arith.constant 60 : i32
      %parallel_loop3A_958 = arith.addi %parallel_loop3A_472, %parallel_loop3A_957 : i32
      %parallel_loop3A_959 = vector.broadcast %parallel_loop3A_958 : i32 to vector<16xi32>
      %parallel_loop3A_960 = arith.addi %mul3A_5, %parallel_loop3A_959 : vector<16xi32>
      tpu.vector_store_idx %arg7[%parallel_loop3A_960], %parallel_loop3A_956 : memref<25088xf32, #tpu.memory_space<vmem>>[vector<16xi32>], vector<16xf32>,
      %parallel_loop3A_961 = arith.constant 61 : i32
      %parallel_loop3A_962 = vector.broadcast %parallel_loop3A_961 : i32 to vector<16xi32>
      %parallel_loop3A_963 = arith.addi %parallel_loop3A_470, %parallel_loop3A_962 : vector<16xi32>
      %parallel_loop3A_964 = tpu.vector_load_idx %arg5[%parallel_loop3A_963] : memref<32768xf32, #tpu.memory_space<vmem>>[vector<16xi32>], vector<16xf32>,
      %parallel_loop3A_965 = arith.constant 61 : i32
      %parallel_loop3A_966 = arith.addi %parallel_loop3A_472, %parallel_loop3A_965 : i32
      %parallel_loop3A_967 = vector.broadcast %parallel_loop3A_966 : i32 to vector<16xi32>
      %parallel_loop3A_968 = arith.addi %mul3A_5, %parallel_loop3A_967 : vector<16xi32>
      tpu.vector_store_idx %arg7[%parallel_loop3A_968], %parallel_loop3A_964 : memref<25088xf32, #tpu.memory_space<vmem>>[vector<16xi32>], vector<16xf32>,
      %parallel_loop3A_969 = arith.constant 62 : i32
      %parallel_loop3A_970 = vector.broadcast %parallel_loop3A_969 : i32 to vector<16xi32>
      %parallel_loop3A_971 = arith.addi %parallel_loop3A_470, %parallel_loop3A_970 : vector<16xi32>
      %parallel_loop3A_972 = tpu.vector_load_idx %arg5[%parallel_loop3A_971] : memref<32768xf32, #tpu.memory_space<vmem>>[vector<16xi32>], vector<16xf32>,
      %parallel_loop3A_973 = arith.constant 62 : i32
      %parallel_loop3A_974 = arith.addi %parallel_loop3A_472, %parallel_loop3A_973 : i32
      %parallel_loop3A_975 = vector.broadcast %parallel_loop3A_974 : i32 to vector<16xi32>
      %parallel_loop3A_976 = arith.addi %mul3A_5, %parallel_loop3A_975 : vector<16xi32>
      tpu.vector_store_idx %arg7[%parallel_loop3A_976], %parallel_loop3A_972 : memref<25088xf32, #tpu.memory_space<vmem>>[vector<16xi32>], vector<16xf32>,
      %parallel_loop3A_977 = arith.constant 63 : i32
      %parallel_loop3A_978 = vector.broadcast %parallel_loop3A_977 : i32 to vector<16xi32>
      %parallel_loop3A_979 = arith.addi %parallel_loop3A_470, %parallel_loop3A_978 : vector<16xi32>
      %parallel_loop3A_980 = tpu.vector_load_idx %arg5[%parallel_loop3A_979] : memref<32768xf32, #tpu.memory_space<vmem>>[vector<16xi32>], vector<16xf32>,
      %parallel_loop3A_981 = arith.constant 63 : i32
      %parallel_loop3A_982 = arith.addi %parallel_loop3A_472, %parallel_loop3A_981 : i32
      %parallel_loop3A_983 = vector.broadcast %parallel_loop3A_982 : i32 to vector<16xi32>
      %parallel_loop3A_984 = arith.addi %mul3A_5, %parallel_loop3A_983 : vector<16xi32>
      tpu.vector_store_idx %arg7[%parallel_loop3A_984], %parallel_loop3A_980 : memref<25088xf32, #tpu.memory_space<vmem>>[vector<16xi32>], vector<16xf32>,
    } {sc.loop_unroll_factor = 4 : i64, sc.parallel_access}
    %lt3A = arith.constant 8 : i32
    %lt3A_8 = vector.broadcast %lt3A : i32 to vector<16xi32>
    %lt3A_9 = arith.cmpi slt, %iota3A, %lt3A_8 : vector<16xi32>
    %get3A = arith.constant 384 : index
    %get3A_10 = tpu.vector_load %arg6[%get3A] {strides = array<i32>} : memref<408xi32, #tpu.memory_space<vmem>>, vector<16xi32>,
    %mul3A_11 = arith.constant 64 : i32
    %mul3A_12 = vector.broadcast %mul3A_11 : i32 to vector<16xi32>
    %mul3A_13 = arith.muli %get3A_10, %mul3A_12 : vector<16xi32>
    %add3A_14 = arith.constant 0 : i32
    %add3A_15 = vector.broadcast %add3A_14 : i32 to vector<16xi32>
    %add3A_16 = arith.addi %mul3A_13, %add3A_15 : vector<16xi32>
    %gather3A = tpu.vector_load_idx %arg5[%add3A_16] masked %lt3A_9 : memref<32768xf32, #tpu.memory_space<vmem>>[vector<16xi32>], vector<16xf32>, vector<16xi1>
    %add3A_17 = arith.constant 24576 : i32
    %add3A_18 = vector.broadcast %add3A_17 : i32 to vector<16xi32>
    %add3A_19 = arith.addi %mul3A_5, %add3A_18 : vector<16xi32>
    tpu.vector_store_idx %arg7[%add3A_19], %gather3A masked %lt3A_9 : memref<25088xf32, #tpu.memory_space<vmem>>[vector<16xi32>], vector<16xf32>, vector<16xi1>
    %add3A_20 = arith.constant 1 : i32
    %add3A_21 = vector.broadcast %add3A_20 : i32 to vector<16xi32>
    %add3A_22 = arith.addi %mul3A_13, %add3A_21 : vector<16xi32>
    %gather3A_23 = tpu.vector_load_idx %arg5[%add3A_22] masked %lt3A_9 : memref<32768xf32, #tpu.memory_space<vmem>>[vector<16xi32>], vector<16xf32>, vector<16xi1>
    %add3A_24 = arith.constant 24577 : i32
    %add3A_25 = vector.broadcast %add3A_24 : i32 to vector<16xi32>
    %add3A_26 = arith.addi %mul3A_5, %add3A_25 : vector<16xi32>
    tpu.vector_store_idx %arg7[%add3A_26], %gather3A_23 masked %lt3A_9 : memref<25088xf32, #tpu.memory_space<vmem>>[vector<16xi32>], vector<16xf32>, vector<16xi1>
    %add3A_27 = arith.constant 2 : i32
    %add3A_28 = vector.broadcast %add3A_27 : i32 to vector<16xi32>
    %add3A_29 = arith.addi %mul3A_13, %add3A_28 : vector<16xi32>
    %gather3A_30 = tpu.vector_load_idx %arg5[%add3A_29] masked %lt3A_9 : memref<32768xf32, #tpu.memory_space<vmem>>[vector<16xi32>], vector<16xf32>, vector<16xi1>
    %add3A_31 = arith.constant 24578 : i32
    %add3A_32 = vector.broadcast %add3A_31 : i32 to vector<16xi32>
    %add3A_33 = arith.addi %mul3A_5, %add3A_32 : vector<16xi32>
    tpu.vector_store_idx %arg7[%add3A_33], %gather3A_30 masked %lt3A_9 : memref<25088xf32, #tpu.memory_space<vmem>>[vector<16xi32>], vector<16xf32>, vector<16xi1>
    %add3A_34 = arith.constant 3 : i32
    %add3A_35 = vector.broadcast %add3A_34 : i32 to vector<16xi32>
    %add3A_36 = arith.addi %mul3A_13, %add3A_35 : vector<16xi32>
    %gather3A_37 = tpu.vector_load_idx %arg5[%add3A_36] masked %lt3A_9 : memref<32768xf32, #tpu.memory_space<vmem>>[vector<16xi32>], vector<16xf32>, vector<16xi1>
    %add3A_38 = arith.constant 24579 : i32
    %add3A_39 = vector.broadcast %add3A_38 : i32 to vector<16xi32>
    %add3A_40 = arith.addi %mul3A_5, %add3A_39 : vector<16xi32>
    tpu.vector_store_idx %arg7[%add3A_40], %gather3A_37 masked %lt3A_9 : memref<25088xf32, #tpu.memory_space<vmem>>[vector<16xi32>], vector<16xf32>, vector<16xi1>
    %add3A_41 = arith.constant 4 : i32
    %add3A_42 = vector.broadcast %add3A_41 : i32 to vector<16xi32>
    %add3A_43 = arith.addi %mul3A_13, %add3A_42 : vector<16xi32>
    %gather3A_44 = tpu.vector_load_idx %arg5[%add3A_43] masked %lt3A_9 : memref<32768xf32, #tpu.memory_space<vmem>>[vector<16xi32>], vector<16xf32>, vector<16xi1>
    %add3A_45 = arith.constant 24580 : i32
    %add3A_46 = vector.broadcast %add3A_45 : i32 to vector<16xi32>
    %add3A_47 = arith.addi %mul3A_5, %add3A_46 : vector<16xi32>
    tpu.vector_store_idx %arg7[%add3A_47], %gather3A_44 masked %lt3A_9 : memref<25088xf32, #tpu.memory_space<vmem>>[vector<16xi32>], vector<16xf32>, vector<16xi1>
    %add3A_48 = arith.constant 5 : i32
    %add3A_49 = vector.broadcast %add3A_48 : i32 to vector<16xi32>
    %add3A_50 = arith.addi %mul3A_13, %add3A_49 : vector<16xi32>
    %gather3A_51 = tpu.vector_load_idx %arg5[%add3A_50] masked %lt3A_9 : memref<32768xf32, #tpu.memory_space<vmem>>[vector<16xi32>], vector<16xf32>, vector<16xi1>
    %add3A_52 = arith.constant 24581 : i32
    %add3A_53 = vector.broadcast %add3A_52 : i32 to vector<16xi32>
    %add3A_54 = arith.addi %mul3A_5, %add3A_53 : vector<16xi32>
    tpu.vector_store_idx %arg7[%add3A_54], %gather3A_51 masked %lt3A_9 : memref<25088xf32, #tpu.memory_space<vmem>>[vector<16xi32>], vector<16xf32>, vector<16xi1>
    %add3A_55 = arith.constant 6 : i32
    %add3A_56 = vector.broadcast %add3A_55 : i32 to vector<16xi32>
    %add3A_57 = arith.addi %mul3A_13, %add3A_56 : vector<16xi32>
    %gather3A_58 = tpu.vector_load_idx %arg5[%add3A_57] masked %lt3A_9 : memref<32768xf32, #tpu.memory_space<vmem>>[vector<16xi32>], vector<16xf32>, vector<16xi1>
    %add3A_59 = arith.constant 24582 : i32
    %add3A_60 = vector.broadcast %add3A_59 : i32 to vector<16xi32>
    %add3A_61 = arith.addi %mul3A_5, %add3A_60 : vector<16xi32>
    tpu.vector_store_idx %arg7[%add3A_61], %gather3A_58 masked %lt3A_9 : memref<25088xf32, #tpu.memory_space<vmem>>[vector<16xi32>], vector<16xf32>, vector<16xi1>
    %add3A_62 = arith.constant 7 : i32
    %add3A_63 = vector.broadcast %add3A_62 : i32 to vector<16xi32>
    %add3A_64 = arith.addi %mul3A_13, %add3A_63 : vector<16xi32>
    %gather3A_65 = tpu.vector_load_idx %arg5[%add3A_64] masked %lt3A_9 : memref<32768xf32, #tpu.memory_space<vmem>>[vector<16xi32>], vector<16xf32>, vector<16xi1>
    %add3A_66 = arith.constant 24583 : i32
    %add3A_67 = vector.broadcast %add3A_66 : i32 to vector<16xi32>
    %add3A_68 = arith.addi %mul3A_5, %add3A_67 : vector<16xi32>
    tpu.vector_store_idx %arg7[%add3A_68], %gather3A_65 masked %lt3A_9 : memref<25088xf32, #tpu.memory_space<vmem>>[vector<16xi32>], vector<16xf32>, vector<16xi1>
    %add3A_69 = arith.constant 8 : i32
    %add3A_70 = vector.broadcast %add3A_69 : i32 to vector<16xi32>
    %add3A_71 = arith.addi %mul3A_13, %add3A_70 : vector<16xi32>
    %gather3A_72 = tpu.vector_load_idx %arg5[%add3A_71] masked %lt3A_9 : memref<32768xf32, #tpu.memory_space<vmem>>[vector<16xi32>], vector<16xf32>, vector<16xi1>
    %add3A_73 = arith.constant 24584 : i32
    %add3A_74 = vector.broadcast %add3A_73 : i32 to vector<16xi32>
    %add3A_75 = arith.addi %mul3A_5, %add3A_74 : vector<16xi32>
    tpu.vector_store_idx %arg7[%add3A_75], %gather3A_72 masked %lt3A_9 : memref<25088xf32, #tpu.memory_space<vmem>>[vector<16xi32>], vector<16xf32>, vector<16xi1>
    %add3A_76 = arith.constant 9 : i32
    %add3A_77 = vector.broadcast %add3A_76 : i32 to vector<16xi32>
    %add3A_78 = arith.addi %mul3A_13, %add3A_77 : vector<16xi32>
    %gather3A_79 = tpu.vector_load_idx %arg5[%add3A_78] masked %lt3A_9 : memref<32768xf32, #tpu.memory_space<vmem>>[vector<16xi32>], vector<16xf32>, vector<16xi1>
    %add3A_80 = arith.constant 24585 : i32
    %add3A_81 = vector.broadcast %add3A_80 : i32 to vector<16xi32>
    %add3A_82 = arith.addi %mul3A_5, %add3A_81 : vector<16xi32>
    tpu.vector_store_idx %arg7[%add3A_82], %gather3A_79 masked %lt3A_9 : memref<25088xf32, #tpu.memory_space<vmem>>[vector<16xi32>], vector<16xf32>, vector<16xi1>
    %add3A_83 = arith.constant 10 : i32
    %add3A_84 = vector.broadcast %add3A_83 : i32 to vector<16xi32>
    %add3A_85 = arith.addi %mul3A_13, %add3A_84 : vector<16xi32>
    %gather3A_86 = tpu.vector_load_idx %arg5[%add3A_85] masked %lt3A_9 : memref<32768xf32, #tpu.memory_space<vmem>>[vector<16xi32>], vector<16xf32>, vector<16xi1>
    %add3A_87 = arith.constant 24586 : i32
    %add3A_88 = vector.broadcast %add3A_87 : i32 to vector<16xi32>
    %add3A_89 = arith.addi %mul3A_5, %add3A_88 : vector<16xi32>
    tpu.vector_store_idx %arg7[%add3A_89], %gather3A_86 masked %lt3A_9 : memref<25088xf32, #tpu.memory_space<vmem>>[vector<16xi32>], vector<16xf32>, vector<16xi1>
    %add3A_90 = arith.constant 11 : i32
    %add3A_91 = vector.broadcast %add3A_90 : i32 to vector<16xi32>
    %add3A_92 = arith.addi %mul3A_13, %add3A_91 : vector<16xi32>
    %gather3A_93 = tpu.vector_load_idx %arg5[%add3A_92] masked %lt3A_9 : memref<32768xf32, #tpu.memory_space<vmem>>[vector<16xi32>], vector<16xf32>, vector<16xi1>
    %add3A_94 = arith.constant 24587 : i32
    %add3A_95 = vector.broadcast %add3A_94 : i32 to vector<16xi32>
    %add3A_96 = arith.addi %mul3A_5, %add3A_95 : vector<16xi32>
    tpu.vector_store_idx %arg7[%add3A_96], %gather3A_93 masked %lt3A_9 : memref<25088xf32, #tpu.memory_space<vmem>>[vector<16xi32>], vector<16xf32>, vector<16xi1>
    %add3A_97 = arith.constant 12 : i32
    %add3A_98 = vector.broadcast %add3A_97 : i32 to vector<16xi32>
    %add3A_99 = arith.addi %mul3A_13, %add3A_98 : vector<16xi32>
    %gather3A_100 = tpu.vector_load_idx %arg5[%add3A_99] masked %lt3A_9 : memref<32768xf32, #tpu.memory_space<vmem>>[vector<16xi32>], vector<16xf32>, vector<16xi1>
    %add3A_101 = arith.constant 24588 : i32
    %add3A_102 = vector.broadcast %add3A_101 : i32 to vector<16xi32>
    %add3A_103 = arith.addi %mul3A_5, %add3A_102 : vector<16xi32>
    tpu.vector_store_idx %arg7[%add3A_103], %gather3A_100 masked %lt3A_9 : memref<25088xf32, #tpu.memory_space<vmem>>[vector<16xi32>], vector<16xf32>, vector<16xi1>
    %add3A_104 = arith.constant 13 : i32
    %add3A_105 = vector.broadcast %add3A_104 : i32 to vector<16xi32>
    %add3A_106 = arith.addi %mul3A_13, %add3A_105 : vector<16xi32>
    %gather3A_107 = tpu.vector_load_idx %arg5[%add3A_106] masked %lt3A_9 : memref<32768xf32, #tpu.memory_space<vmem>>[vector<16xi32>], vector<16xf32>, vector<16xi1>
    %add3A_108 = arith.constant 24589 : i32
    %add3A_109 = vector.broadcast %add3A_108 : i32 to vector<16xi32>
    %add3A_110 = arith.addi %mul3A_5, %add3A_109 : vector<16xi32>
    tpu.vector_store_idx %arg7[%add3A_110], %gather3A_107 masked %lt3A_9 : memref<25088xf32, #tpu.memory_space<vmem>>[vector<16xi32>], vector<16xf32>, vector<16xi1>
    %add3A_111 = arith.constant 14 : i32
    %add3A_112 = vector.broadcast %add3A_111 : i32 to vector<16xi32>
    %add3A_113 = arith.addi %mul3A_13, %add3A_112 : vector<16xi32>
    %gather3A_114 = tpu.vector_load_idx %arg5[%add3A_113] masked %lt3A_9 : memref<32768xf32, #tpu.memory_space<vmem>>[vector<16xi32>], vector<16xf32>, vector<16xi1>
    %add3A_115 = arith.constant 24590 : i32
    %add3A_116 = vector.broadcast %add3A_115 : i32 to vector<16xi32>
    %add3A_117 = arith.addi %mul3A_5, %add3A_116 : vector<16xi32>
    tpu.vector_store_idx %arg7[%add3A_117], %gather3A_114 masked %lt3A_9 : memref<25088xf32, #tpu.memory_space<vmem>>[vector<16xi32>], vector<16xf32>, vector<16xi1>
    %add3A_118 = arith.constant 15 : i32
    %add3A_119 = vector.broadcast %add3A_118 : i32 to vector<16xi32>
    %add3A_120 = arith.addi %mul3A_13, %add3A_119 : vector<16xi32>
    %gather3A_121 = tpu.vector_load_idx %arg5[%add3A_120] masked %lt3A_9 : memref<32768xf32, #tpu.memory_space<vmem>>[vector<16xi32>], vector<16xf32>, vector<16xi1>
    %add3A_122 = arith.constant 24591 : i32
    %add3A_123 = vector.broadcast %add3A_122 : i32 to vector<16xi32>
    %add3A_124 = arith.addi %mul3A_5, %add3A_123 : vector<16xi32>
    tpu.vector_store_idx %arg7[%add3A_124], %gather3A_121 masked %lt3A_9 : memref<25088xf32, #tpu.memory_space<vmem>>[vector<16xi32>], vector<16xf32>, vector<16xi1>
    %add3A_125 = arith.constant 16 : i32
    %add3A_126 = vector.broadcast %add3A_125 : i32 to vector<16xi32>
    %add3A_127 = arith.addi %mul3A_13, %add3A_126 : vector<16xi32>
    %gather3A_128 = tpu.vector_load_idx %arg5[%add3A_127] masked %lt3A_9 : memref<32768xf32, #tpu.memory_space<vmem>>[vector<16xi32>], vector<16xf32>, vector<16xi1>
    %add3A_129 = arith.constant 24592 : i32
    %add3A_130 = vector.broadcast %add3A_129 : i32 to vector<16xi32>
    %add3A_131 = arith.addi %mul3A_5, %add3A_130 : vector<16xi32>
    tpu.vector_store_idx %arg7[%add3A_131], %gather3A_128 masked %lt3A_9 : memref<25088xf32, #tpu.memory_space<vmem>>[vector<16xi32>], vector<16xf32>, vector<16xi1>
    %add3A_132 = arith.constant 17 : i32
    %add3A_133 = vector.broadcast %add3A_132 : i32 to vector<16xi32>
    %add3A_134 = arith.addi %mul3A_13, %add3A_133 : vector<16xi32>
    %gather3A_135 = tpu.vector_load_idx %arg5[%add3A_134] masked %lt3A_9 : memref<32768xf32, #tpu.memory_space<vmem>>[vector<16xi32>], vector<16xf32>, vector<16xi1>
    %add3A_136 = arith.constant 24593 : i32
    %add3A_137 = vector.broadcast %add3A_136 : i32 to vector<16xi32>
    %add3A_138 = arith.addi %mul3A_5, %add3A_137 : vector<16xi32>
    tpu.vector_store_idx %arg7[%add3A_138], %gather3A_135 masked %lt3A_9 : memref<25088xf32, #tpu.memory_space<vmem>>[vector<16xi32>], vector<16xf32>, vector<16xi1>
    %add3A_139 = arith.constant 18 : i32
    %add3A_140 = vector.broadcast %add3A_139 : i32 to vector<16xi32>
    %add3A_141 = arith.addi %mul3A_13, %add3A_140 : vector<16xi32>
    %gather3A_142 = tpu.vector_load_idx %arg5[%add3A_141] masked %lt3A_9 : memref<32768xf32, #tpu.memory_space<vmem>>[vector<16xi32>], vector<16xf32>, vector<16xi1>
    %add3A_143 = arith.constant 24594 : i32
    %add3A_144 = vector.broadcast %add3A_143 : i32 to vector<16xi32>
    %add3A_145 = arith.addi %mul3A_5, %add3A_144 : vector<16xi32>
    tpu.vector_store_idx %arg7[%add3A_145], %gather3A_142 masked %lt3A_9 : memref<25088xf32, #tpu.memory_space<vmem>>[vector<16xi32>], vector<16xf32>, vector<16xi1>
    %add3A_146 = arith.constant 19 : i32
    %add3A_147 = vector.broadcast %add3A_146 : i32 to vector<16xi32>
    %add3A_148 = arith.addi %mul3A_13, %add3A_147 : vector<16xi32>
    %gather3A_149 = tpu.vector_load_idx %arg5[%add3A_148] masked %lt3A_9 : memref<32768xf32, #tpu.memory_space<vmem>>[vector<16xi32>], vector<16xf32>, vector<16xi1>
    %add3A_150 = arith.constant 24595 : i32
    %add3A_151 = vector.broadcast %add3A_150 : i32 to vector<16xi32>
    %add3A_152 = arith.addi %mul3A_5, %add3A_151 : vector<16xi32>
    tpu.vector_store_idx %arg7[%add3A_152], %gather3A_149 masked %lt3A_9 : memref<25088xf32, #tpu.memory_space<vmem>>[vector<16xi32>], vector<16xf32>, vector<16xi1>
    %add3A_153 = arith.constant 20 : i32
    %add3A_154 = vector.broadcast %add3A_153 : i32 to vector<16xi32>
    %add3A_155 = arith.addi %mul3A_13, %add3A_154 : vector<16xi32>
    %gather3A_156 = tpu.vector_load_idx %arg5[%add3A_155] masked %lt3A_9 : memref<32768xf32, #tpu.memory_space<vmem>>[vector<16xi32>], vector<16xf32>, vector<16xi1>
    %add3A_157 = arith.constant 24596 : i32
    %add3A_158 = vector.broadcast %add3A_157 : i32 to vector<16xi32>
    %add3A_159 = arith.addi %mul3A_5, %add3A_158 : vector<16xi32>
    tpu.vector_store_idx %arg7[%add3A_159], %gather3A_156 masked %lt3A_9 : memref<25088xf32, #tpu.memory_space<vmem>>[vector<16xi32>], vector<16xf32>, vector<16xi1>
    %add3A_160 = arith.constant 21 : i32
    %add3A_161 = vector.broadcast %add3A_160 : i32 to vector<16xi32>
    %add3A_162 = arith.addi %mul3A_13, %add3A_161 : vector<16xi32>
    %gather3A_163 = tpu.vector_load_idx %arg5[%add3A_162] masked %lt3A_9 : memref<32768xf32, #tpu.memory_space<vmem>>[vector<16xi32>], vector<16xf32>, vector<16xi1>
    %add3A_164 = arith.constant 24597 : i32
    %add3A_165 = vector.broadcast %add3A_164 : i32 to vector<16xi32>
    %add3A_166 = arith.addi %mul3A_5, %add3A_165 : vector<16xi32>
    tpu.vector_store_idx %arg7[%add3A_166], %gather3A_163 masked %lt3A_9 : memref<25088xf32, #tpu.memory_space<vmem>>[vector<16xi32>], vector<16xf32>, vector<16xi1>
    %add3A_167 = arith.constant 22 : i32
    %add3A_168 = vector.broadcast %add3A_167 : i32 to vector<16xi32>
    %add3A_169 = arith.addi %mul3A_13, %add3A_168 : vector<16xi32>
    %gather3A_170 = tpu.vector_load_idx %arg5[%add3A_169] masked %lt3A_9 : memref<32768xf32, #tpu.memory_space<vmem>>[vector<16xi32>], vector<16xf32>, vector<16xi1>
    %add3A_171 = arith.constant 24598 : i32
    %add3A_172 = vector.broadcast %add3A_171 : i32 to vector<16xi32>
    %add3A_173 = arith.addi %mul3A_5, %add3A_172 : vector<16xi32>
    tpu.vector_store_idx %arg7[%add3A_173], %gather3A_170 masked %lt3A_9 : memref<25088xf32, #tpu.memory_space<vmem>>[vector<16xi32>], vector<16xf32>, vector<16xi1>
    %add3A_174 = arith.constant 23 : i32
    %add3A_175 = vector.broadcast %add3A_174 : i32 to vector<16xi32>
    %add3A_176 = arith.addi %mul3A_13, %add3A_175 : vector<16xi32>
    %gather3A_177 = tpu.vector_load_idx %arg5[%add3A_176] masked %lt3A_9 : memref<32768xf32, #tpu.memory_space<vmem>>[vector<16xi32>], vector<16xf32>, vector<16xi1>
    %add3A_178 = arith.constant 24599 : i32
    %add3A_179 = vector.broadcast %add3A_178 : i32 to vector<16xi32>
    %add3A_180 = arith.addi %mul3A_5, %add3A_179 : vector<16xi32>
    tpu.vector_store_idx %arg7[%add3A_180], %gather3A_177 masked %lt3A_9 : memref<25088xf32, #tpu.memory_space<vmem>>[vector<16xi32>], vector<16xf32>, vector<16xi1>
    %add3A_181 = arith.constant 24 : i32
    %add3A_182 = vector.broadcast %add3A_181 : i32 to vector<16xi32>
    %add3A_183 = arith.addi %mul3A_13, %add3A_182 : vector<16xi32>
    %gather3A_184 = tpu.vector_load_idx %arg5[%add3A_183] masked %lt3A_9 : memref<32768xf32, #tpu.memory_space<vmem>>[vector<16xi32>], vector<16xf32>, vector<16xi1>
    %add3A_185 = arith.constant 24600 : i32
    %add3A_186 = vector.broadcast %add3A_185 : i32 to vector<16xi32>
    %add3A_187 = arith.addi %mul3A_5, %add3A_186 : vector<16xi32>
    tpu.vector_store_idx %arg7[%add3A_187], %gather3A_184 masked %lt3A_9 : memref<25088xf32, #tpu.memory_space<vmem>>[vector<16xi32>], vector<16xf32>, vector<16xi1>
    %add3A_188 = arith.constant 25 : i32
    %add3A_189 = vector.broadcast %add3A_188 : i32 to vector<16xi32>
    %add3A_190 = arith.addi %mul3A_13, %add3A_189 : vector<16xi32>
    %gather3A_191 = tpu.vector_load_idx %arg5[%add3A_190] masked %lt3A_9 : memref<32768xf32, #tpu.memory_space<vmem>>[vector<16xi32>], vector<16xf32>, vector<16xi1>
    %add3A_192 = arith.constant 24601 : i32
    %add3A_193 = vector.broadcast %add3A_192 : i32 to vector<16xi32>
    %add3A_194 = arith.addi %mul3A_5, %add3A_193 : vector<16xi32>
    tpu.vector_store_idx %arg7[%add3A_194], %gather3A_191 masked %lt3A_9 : memref<25088xf32, #tpu.memory_space<vmem>>[vector<16xi32>], vector<16xf32>, vector<16xi1>
    %add3A_195 = arith.constant 26 : i32
    %add3A_196 = vector.broadcast %add3A_195 : i32 to vector<16xi32>
    %add3A_197 = arith.addi %mul3A_13, %add3A_196 : vector<16xi32>
    %gather3A_198 = tpu.vector_load_idx %arg5[%add3A_197] masked %lt3A_9 : memref<32768xf32, #tpu.memory_space<vmem>>[vector<16xi32>], vector<16xf32>, vector<16xi1>
    %add3A_199 = arith.constant 24602 : i32
    %add3A_200 = vector.broadcast %add3A_199 : i32 to vector<16xi32>
    %add3A_201 = arith.addi %mul3A_5, %add3A_200 : vector<16xi32>
    tpu.vector_store_idx %arg7[%add3A_201], %gather3A_198 masked %lt3A_9 : memref<25088xf32, #tpu.memory_space<vmem>>[vector<16xi32>], vector<16xf32>, vector<16xi1>
    %add3A_202 = arith.constant 27 : i32
    %add3A_203 = vector.broadcast %add3A_202 : i32 to vector<16xi32>
    %add3A_204 = arith.addi %mul3A_13, %add3A_203 : vector<16xi32>
    %gather3A_205 = tpu.vector_load_idx %arg5[%add3A_204] masked %lt3A_9 : memref<32768xf32, #tpu.memory_space<vmem>>[vector<16xi32>], vector<16xf32>, vector<16xi1>
    %add3A_206 = arith.constant 24603 : i32
    %add3A_207 = vector.broadcast %add3A_206 : i32 to vector<16xi32>
    %add3A_208 = arith.addi %mul3A_5, %add3A_207 : vector<16xi32>
    tpu.vector_store_idx %arg7[%add3A_208], %gather3A_205 masked %lt3A_9 : memref<25088xf32, #tpu.memory_space<vmem>>[vector<16xi32>], vector<16xf32>, vector<16xi1>
    %add3A_209 = arith.constant 28 : i32
    %add3A_210 = vector.broadcast %add3A_209 : i32 to vector<16xi32>
    %add3A_211 = arith.addi %mul3A_13, %add3A_210 : vector<16xi32>
    %gather3A_212 = tpu.vector_load_idx %arg5[%add3A_211] masked %lt3A_9 : memref<32768xf32, #tpu.memory_space<vmem>>[vector<16xi32>], vector<16xf32>, vector<16xi1>
    %add3A_213 = arith.constant 24604 : i32
    %add3A_214 = vector.broadcast %add3A_213 : i32 to vector<16xi32>
    %add3A_215 = arith.addi %mul3A_5, %add3A_214 : vector<16xi32>
    tpu.vector_store_idx %arg7[%add3A_215], %gather3A_212 masked %lt3A_9 : memref<25088xf32, #tpu.memory_space<vmem>>[vector<16xi32>], vector<16xf32>, vector<16xi1>
    %add3A_216 = arith.constant 29 : i32
    %add3A_217 = vector.broadcast %add3A_216 : i32 to vector<16xi32>
    %add3A_218 = arith.addi %mul3A_13, %add3A_217 : vector<16xi32>
    %gather3A_219 = tpu.vector_load_idx %arg5[%add3A_218] masked %lt3A_9 : memref<32768xf32, #tpu.memory_space<vmem>>[vector<16xi32>], vector<16xf32>, vector<16xi1>
    %add3A_220 = arith.constant 24605 : i32
    %add3A_221 = vector.broadcast %add3A_220 : i32 to vector<16xi32>
    %add3A_222 = arith.addi %mul3A_5, %add3A_221 : vector<16xi32>
    tpu.vector_store_idx %arg7[%add3A_222], %gather3A_219 masked %lt3A_9 : memref<25088xf32, #tpu.memory_space<vmem>>[vector<16xi32>], vector<16xf32>, vector<16xi1>
    %add3A_223 = arith.constant 30 : i32
    %add3A_224 = vector.broadcast %add3A_223 : i32 to vector<16xi32>
    %add3A_225 = arith.addi %mul3A_13, %add3A_224 : vector<16xi32>
    %gather3A_226 = tpu.vector_load_idx %arg5[%add3A_225] masked %lt3A_9 : memref<32768xf32, #tpu.memory_space<vmem>>[vector<16xi32>], vector<16xf32>, vector<16xi1>
    %add3A_227 = arith.constant 24606 : i32
    %add3A_228 = vector.broadcast %add3A_227 : i32 to vector<16xi32>
    %add3A_229 = arith.addi %mul3A_5, %add3A_228 : vector<16xi32>
    tpu.vector_store_idx %arg7[%add3A_229], %gather3A_226 masked %lt3A_9 : memref<25088xf32, #tpu.memory_space<vmem>>[vector<16xi32>], vector<16xf32>, vector<16xi1>
    %add3A_230 = arith.constant 31 : i32
    %add3A_231 = vector.broadcast %add3A_230 : i32 to vector<16xi32>
    %add3A_232 = arith.addi %mul3A_13, %add3A_231 : vector<16xi32>
    %gather3A_233 = tpu.vector_load_idx %arg5[%add3A_232] masked %lt3A_9 : memref<32768xf32, #tpu.memory_space<vmem>>[vector<16xi32>], vector<16xf32>, vector<16xi1>
    %add3A_234 = arith.constant 24607 : i32
    %add3A_235 = vector.broadcast %add3A_234 : i32 to vector<16xi32>
    %add3A_236 = arith.addi %mul3A_5, %add3A_235 : vector<16xi32>
    tpu.vector_store_idx %arg7[%add3A_236], %gather3A_233 masked %lt3A_9 : memref<25088xf32, #tpu.memory_space<vmem>>[vector<16xi32>], vector<16xf32>, vector<16xi1>
    %add3A_237 = arith.constant 32 : i32
    %add3A_238 = vector.broadcast %add3A_237 : i32 to vector<16xi32>
    %add3A_239 = arith.addi %mul3A_13, %add3A_238 : vector<16xi32>
    %gather3A_240 = tpu.vector_load_idx %arg5[%add3A_239] masked %lt3A_9 : memref<32768xf32, #tpu.memory_space<vmem>>[vector<16xi32>], vector<16xf32>, vector<16xi1>
    %add3A_241 = arith.constant 24608 : i32
    %add3A_242 = vector.broadcast %add3A_241 : i32 to vector<16xi32>
    %add3A_243 = arith.addi %mul3A_5, %add3A_242 : vector<16xi32>
    tpu.vector_store_idx %arg7[%add3A_243], %gather3A_240 masked %lt3A_9 : memref<25088xf32, #tpu.memory_space<vmem>>[vector<16xi32>], vector<16xf32>, vector<16xi1>
    %add3A_244 = arith.constant 33 : i32
    %add3A_245 = vector.broadcast %add3A_244 : i32 to vector<16xi32>
    %add3A_246 = arith.addi %mul3A_13, %add3A_245 : vector<16xi32>
    %gather3A_247 = tpu.vector_load_idx %arg5[%add3A_246] masked %lt3A_9 : memref<32768xf32, #tpu.memory_space<vmem>>[vector<16xi32>], vector<16xf32>, vector<16xi1>
    %add3A_248 = arith.constant 24609 : i32
    %add3A_249 = vector.broadcast %add3A_248 : i32 to vector<16xi32>
    %add3A_250 = arith.addi %mul3A_5, %add3A_249 : vector<16xi32>
    tpu.vector_store_idx %arg7[%add3A_250], %gather3A_247 masked %lt3A_9 : memref<25088xf32, #tpu.memory_space<vmem>>[vector<16xi32>], vector<16xf32>, vector<16xi1>
    %add3A_251 = arith.constant 34 : i32
    %add3A_252 = vector.broadcast %add3A_251 : i32 to vector<16xi32>
    %add3A_253 = arith.addi %mul3A_13, %add3A_252 : vector<16xi32>
    %gather3A_254 = tpu.vector_load_idx %arg5[%add3A_253] masked %lt3A_9 : memref<32768xf32, #tpu.memory_space<vmem>>[vector<16xi32>], vector<16xf32>, vector<16xi1>
    %add3A_255 = arith.constant 24610 : i32
    %add3A_256 = vector.broadcast %add3A_255 : i32 to vector<16xi32>
    %add3A_257 = arith.addi %mul3A_5, %add3A_256 : vector<16xi32>
    tpu.vector_store_idx %arg7[%add3A_257], %gather3A_254 masked %lt3A_9 : memref<25088xf32, #tpu.memory_space<vmem>>[vector<16xi32>], vector<16xf32>, vector<16xi1>
    %add3A_258 = arith.constant 35 : i32
    %add3A_259 = vector.broadcast %add3A_258 : i32 to vector<16xi32>
    %add3A_260 = arith.addi %mul3A_13, %add3A_259 : vector<16xi32>
    %gather3A_261 = tpu.vector_load_idx %arg5[%add3A_260] masked %lt3A_9 : memref<32768xf32, #tpu.memory_space<vmem>>[vector<16xi32>], vector<16xf32>, vector<16xi1>
    %add3A_262 = arith.constant 24611 : i32
    %add3A_263 = vector.broadcast %add3A_262 : i32 to vector<16xi32>
    %add3A_264 = arith.addi %mul3A_5, %add3A_263 : vector<16xi32>
    tpu.vector_store_idx %arg7[%add3A_264], %gather3A_261 masked %lt3A_9 : memref<25088xf32, #tpu.memory_space<vmem>>[vector<16xi32>], vector<16xf32>, vector<16xi1>
    %add3A_265 = arith.constant 36 : i32
    %add3A_266 = vector.broadcast %add3A_265 : i32 to vector<16xi32>
    %add3A_267 = arith.addi %mul3A_13, %add3A_266 : vector<16xi32>
    %gather3A_268 = tpu.vector_load_idx %arg5[%add3A_267] masked %lt3A_9 : memref<32768xf32, #tpu.memory_space<vmem>>[vector<16xi32>], vector<16xf32>, vector<16xi1>
    %add3A_269 = arith.constant 24612 : i32
    %add3A_270 = vector.broadcast %add3A_269 : i32 to vector<16xi32>
    %add3A_271 = arith.addi %mul3A_5, %add3A_270 : vector<16xi32>
    tpu.vector_store_idx %arg7[%add3A_271], %gather3A_268 masked %lt3A_9 : memref<25088xf32, #tpu.memory_space<vmem>>[vector<16xi32>], vector<16xf32>, vector<16xi1>
    %add3A_272 = arith.constant 37 : i32
    %add3A_273 = vector.broadcast %add3A_272 : i32 to vector<16xi32>
    %add3A_274 = arith.addi %mul3A_13, %add3A_273 : vector<16xi32>
    %gather3A_275 = tpu.vector_load_idx %arg5[%add3A_274] masked %lt3A_9 : memref<32768xf32, #tpu.memory_space<vmem>>[vector<16xi32>], vector<16xf32>, vector<16xi1>
    %add3A_276 = arith.constant 24613 : i32
    %add3A_277 = vector.broadcast %add3A_276 : i32 to vector<16xi32>
    %add3A_278 = arith.addi %mul3A_5, %add3A_277 : vector<16xi32>
    tpu.vector_store_idx %arg7[%add3A_278], %gather3A_275 masked %lt3A_9 : memref<25088xf32, #tpu.memory_space<vmem>>[vector<16xi32>], vector<16xf32>, vector<16xi1>
    %add3A_279 = arith.constant 38 : i32
    %add3A_280 = vector.broadcast %add3A_279 : i32 to vector<16xi32>
    %add3A_281 = arith.addi %mul3A_13, %add3A_280 : vector<16xi32>
    %gather3A_282 = tpu.vector_load_idx %arg5[%add3A_281] masked %lt3A_9 : memref<32768xf32, #tpu.memory_space<vmem>>[vector<16xi32>], vector<16xf32>, vector<16xi1>
    %add3A_283 = arith.constant 24614 : i32
    %add3A_284 = vector.broadcast %add3A_283 : i32 to vector<16xi32>
    %add3A_285 = arith.addi %mul3A_5, %add3A_284 : vector<16xi32>
    tpu.vector_store_idx %arg7[%add3A_285], %gather3A_282 masked %lt3A_9 : memref<25088xf32, #tpu.memory_space<vmem>>[vector<16xi32>], vector<16xf32>, vector<16xi1>
    %add3A_286 = arith.constant 39 : i32
    %add3A_287 = vector.broadcast %add3A_286 : i32 to vector<16xi32>
    %add3A_288 = arith.addi %mul3A_13, %add3A_287 : vector<16xi32>
    %gather3A_289 = tpu.vector_load_idx %arg5[%add3A_288] masked %lt3A_9 : memref<32768xf32, #tpu.memory_space<vmem>>[vector<16xi32>], vector<16xf32>, vector<16xi1>
    %add3A_290 = arith.constant 24615 : i32
    %add3A_291 = vector.broadcast %add3A_290 : i32 to vector<16xi32>
    %add3A_292 = arith.addi %mul3A_5, %add3A_291 : vector<16xi32>
    tpu.vector_store_idx %arg7[%add3A_292], %gather3A_289 masked %lt3A_9 : memref<25088xf32, #tpu.memory_space<vmem>>[vector<16xi32>], vector<16xf32>, vector<16xi1>
    %add3A_293 = arith.constant 40 : i32
    %add3A_294 = vector.broadcast %add3A_293 : i32 to vector<16xi32>
    %add3A_295 = arith.addi %mul3A_13, %add3A_294 : vector<16xi32>
    %gather3A_296 = tpu.vector_load_idx %arg5[%add3A_295] masked %lt3A_9 : memref<32768xf32, #tpu.memory_space<vmem>>[vector<16xi32>], vector<16xf32>, vector<16xi1>
    %add3A_297 = arith.constant 24616 : i32
    %add3A_298 = vector.broadcast %add3A_297 : i32 to vector<16xi32>
    %add3A_299 = arith.addi %mul3A_5, %add3A_298 : vector<16xi32>
    tpu.vector_store_idx %arg7[%add3A_299], %gather3A_296 masked %lt3A_9 : memref<25088xf32, #tpu.memory_space<vmem>>[vector<16xi32>], vector<16xf32>, vector<16xi1>
    %add3A_300 = arith.constant 41 : i32
    %add3A_301 = vector.broadcast %add3A_300 : i32 to vector<16xi32>
    %add3A_302 = arith.addi %mul3A_13, %add3A_301 : vector<16xi32>
    %gather3A_303 = tpu.vector_load_idx %arg5[%add3A_302] masked %lt3A_9 : memref<32768xf32, #tpu.memory_space<vmem>>[vector<16xi32>], vector<16xf32>, vector<16xi1>
    %add3A_304 = arith.constant 24617 : i32
    %add3A_305 = vector.broadcast %add3A_304 : i32 to vector<16xi32>
    %add3A_306 = arith.addi %mul3A_5, %add3A_305 : vector<16xi32>
    tpu.vector_store_idx %arg7[%add3A_306], %gather3A_303 masked %lt3A_9 : memref<25088xf32, #tpu.memory_space<vmem>>[vector<16xi32>], vector<16xf32>, vector<16xi1>
    %add3A_307 = arith.constant 42 : i32
    %add3A_308 = vector.broadcast %add3A_307 : i32 to vector<16xi32>
    %add3A_309 = arith.addi %mul3A_13, %add3A_308 : vector<16xi32>
    %gather3A_310 = tpu.vector_load_idx %arg5[%add3A_309] masked %lt3A_9 : memref<32768xf32, #tpu.memory_space<vmem>>[vector<16xi32>], vector<16xf32>, vector<16xi1>
    %add3A_311 = arith.constant 24618 : i32
    %add3A_312 = vector.broadcast %add3A_311 : i32 to vector<16xi32>
    %add3A_313 = arith.addi %mul3A_5, %add3A_312 : vector<16xi32>
    tpu.vector_store_idx %arg7[%add3A_313], %gather3A_310 masked %lt3A_9 : memref<25088xf32, #tpu.memory_space<vmem>>[vector<16xi32>], vector<16xf32>, vector<16xi1>
    %add3A_314 = arith.constant 43 : i32
    %add3A_315 = vector.broadcast %add3A_314 : i32 to vector<16xi32>
    %add3A_316 = arith.addi %mul3A_13, %add3A_315 : vector<16xi32>
    %gather3A_317 = tpu.vector_load_idx %arg5[%add3A_316] masked %lt3A_9 : memref<32768xf32, #tpu.memory_space<vmem>>[vector<16xi32>], vector<16xf32>, vector<16xi1>
    %add3A_318 = arith.constant 24619 : i32
    %add3A_319 = vector.broadcast %add3A_318 : i32 to vector<16xi32>
    %add3A_320 = arith.addi %mul3A_5, %add3A_319 : vector<16xi32>
    tpu.vector_store_idx %arg7[%add3A_320], %gather3A_317 masked %lt3A_9 : memref<25088xf32, #tpu.memory_space<vmem>>[vector<16xi32>], vector<16xf32>, vector<16xi1>
    %add3A_321 = arith.constant 44 : i32
    %add3A_322 = vector.broadcast %add3A_321 : i32 to vector<16xi32>
    %add3A_323 = arith.addi %mul3A_13, %add3A_322 : vector<16xi32>
    %gather3A_324 = tpu.vector_load_idx %arg5[%add3A_323] masked %lt3A_9 : memref<32768xf32, #tpu.memory_space<vmem>>[vector<16xi32>], vector<16xf32>, vector<16xi1>
    %add3A_325 = arith.constant 24620 : i32
    %add3A_326 = vector.broadcast %add3A_325 : i32 to vector<16xi32>
    %add3A_327 = arith.addi %mul3A_5, %add3A_326 : vector<16xi32>
    tpu.vector_store_idx %arg7[%add3A_327], %gather3A_324 masked %lt3A_9 : memref<25088xf32, #tpu.memory_space<vmem>>[vector<16xi32>], vector<16xf32>, vector<16xi1>
    %add3A_328 = arith.constant 45 : i32
    %add3A_329 = vector.broadcast %add3A_328 : i32 to vector<16xi32>
    %add3A_330 = arith.addi %mul3A_13, %add3A_329 : vector<16xi32>
    %gather3A_331 = tpu.vector_load_idx %arg5[%add3A_330] masked %lt3A_9 : memref<32768xf32, #tpu.memory_space<vmem>>[vector<16xi32>], vector<16xf32>, vector<16xi1>
    %add3A_332 = arith.constant 24621 : i32
    %add3A_333 = vector.broadcast %add3A_332 : i32 to vector<16xi32>
    %add3A_334 = arith.addi %mul3A_5, %add3A_333 : vector<16xi32>
    tpu.vector_store_idx %arg7[%add3A_334], %gather3A_331 masked %lt3A_9 : memref<25088xf32, #tpu.memory_space<vmem>>[vector<16xi32>], vector<16xf32>, vector<16xi1>
    %add3A_335 = arith.constant 46 : i32
    %add3A_336 = vector.broadcast %add3A_335 : i32 to vector<16xi32>
    %add3A_337 = arith.addi %mul3A_13, %add3A_336 : vector<16xi32>
    %gather3A_338 = tpu.vector_load_idx %arg5[%add3A_337] masked %lt3A_9 : memref<32768xf32, #tpu.memory_space<vmem>>[vector<16xi32>], vector<16xf32>, vector<16xi1>
    %add3A_339 = arith.constant 24622 : i32
    %add3A_340 = vector.broadcast %add3A_339 : i32 to vector<16xi32>
    %add3A_341 = arith.addi %mul3A_5, %add3A_340 : vector<16xi32>
    tpu.vector_store_idx %arg7[%add3A_341], %gather3A_338 masked %lt3A_9 : memref<25088xf32, #tpu.memory_space<vmem>>[vector<16xi32>], vector<16xf32>, vector<16xi1>
    %add3A_342 = arith.constant 47 : i32
    %add3A_343 = vector.broadcast %add3A_342 : i32 to vector<16xi32>
    %add3A_344 = arith.addi %mul3A_13, %add3A_343 : vector<16xi32>
    %gather3A_345 = tpu.vector_load_idx %arg5[%add3A_344] masked %lt3A_9 : memref<32768xf32, #tpu.memory_space<vmem>>[vector<16xi32>], vector<16xf32>, vector<16xi1>
    %add3A_346 = arith.constant 24623 : i32
    %add3A_347 = vector.broadcast %add3A_346 : i32 to vector<16xi32>
    %add3A_348 = arith.addi %mul3A_5, %add3A_347 : vector<16xi32>
    tpu.vector_store_idx %arg7[%add3A_348], %gather3A_345 masked %lt3A_9 : memref<25088xf32, #tpu.memory_space<vmem>>[vector<16xi32>], vector<16xf32>, vector<16xi1>
    %add3A_349 = arith.constant 48 : i32
    %add3A_350 = vector.broadcast %add3A_349 : i32 to vector<16xi32>
    %add3A_351 = arith.addi %mul3A_13, %add3A_350 : vector<16xi32>
    %gather3A_352 = tpu.vector_load_idx %arg5[%add3A_351] masked %lt3A_9 : memref<32768xf32, #tpu.memory_space<vmem>>[vector<16xi32>], vector<16xf32>, vector<16xi1>
    %add3A_353 = arith.constant 24624 : i32
    %add3A_354 = vector.broadcast %add3A_353 : i32 to vector<16xi32>
    %add3A_355 = arith.addi %mul3A_5, %add3A_354 : vector<16xi32>
    tpu.vector_store_idx %arg7[%add3A_355], %gather3A_352 masked %lt3A_9 : memref<25088xf32, #tpu.memory_space<vmem>>[vector<16xi32>], vector<16xf32>, vector<16xi1>
    %add3A_356 = arith.constant 49 : i32
    %add3A_357 = vector.broadcast %add3A_356 : i32 to vector<16xi32>
    %add3A_358 = arith.addi %mul3A_13, %add3A_357 : vector<16xi32>
    %gather3A_359 = tpu.vector_load_idx %arg5[%add3A_358] masked %lt3A_9 : memref<32768xf32, #tpu.memory_space<vmem>>[vector<16xi32>], vector<16xf32>, vector<16xi1>
    %add3A_360 = arith.constant 24625 : i32
    %add3A_361 = vector.broadcast %add3A_360 : i32 to vector<16xi32>
    %add3A_362 = arith.addi %mul3A_5, %add3A_361 : vector<16xi32>
    tpu.vector_store_idx %arg7[%add3A_362], %gather3A_359 masked %lt3A_9 : memref<25088xf32, #tpu.memory_space<vmem>>[vector<16xi32>], vector<16xf32>, vector<16xi1>
    %add3A_363 = arith.constant 50 : i32
    %add3A_364 = vector.broadcast %add3A_363 : i32 to vector<16xi32>
    %add3A_365 = arith.addi %mul3A_13, %add3A_364 : vector<16xi32>
    %gather3A_366 = tpu.vector_load_idx %arg5[%add3A_365] masked %lt3A_9 : memref<32768xf32, #tpu.memory_space<vmem>>[vector<16xi32>], vector<16xf32>, vector<16xi1>
    %add3A_367 = arith.constant 24626 : i32
    %add3A_368 = vector.broadcast %add3A_367 : i32 to vector<16xi32>
    %add3A_369 = arith.addi %mul3A_5, %add3A_368 : vector<16xi32>
    tpu.vector_store_idx %arg7[%add3A_369], %gather3A_366 masked %lt3A_9 : memref<25088xf32, #tpu.memory_space<vmem>>[vector<16xi32>], vector<16xf32>, vector<16xi1>
    %add3A_370 = arith.constant 51 : i32
    %add3A_371 = vector.broadcast %add3A_370 : i32 to vector<16xi32>
    %add3A_372 = arith.addi %mul3A_13, %add3A_371 : vector<16xi32>
    %gather3A_373 = tpu.vector_load_idx %arg5[%add3A_372] masked %lt3A_9 : memref<32768xf32, #tpu.memory_space<vmem>>[vector<16xi32>], vector<16xf32>, vector<16xi1>
    %add3A_374 = arith.constant 24627 : i32
    %add3A_375 = vector.broadcast %add3A_374 : i32 to vector<16xi32>
    %add3A_376 = arith.addi %mul3A_5, %add3A_375 : vector<16xi32>
    tpu.vector_store_idx %arg7[%add3A_376], %gather3A_373 masked %lt3A_9 : memref<25088xf32, #tpu.memory_space<vmem>>[vector<16xi32>], vector<16xf32>, vector<16xi1>
    %add3A_377 = arith.constant 52 : i32
    %add3A_378 = vector.broadcast %add3A_377 : i32 to vector<16xi32>
    %add3A_379 = arith.addi %mul3A_13, %add3A_378 : vector<16xi32>
    %gather3A_380 = tpu.vector_load_idx %arg5[%add3A_379] masked %lt3A_9 : memref<32768xf32, #tpu.memory_space<vmem>>[vector<16xi32>], vector<16xf32>, vector<16xi1>
    %add3A_381 = arith.constant 24628 : i32
    %add3A_382 = vector.broadcast %add3A_381 : i32 to vector<16xi32>
    %add3A_383 = arith.addi %mul3A_5, %add3A_382 : vector<16xi32>
    tpu.vector_store_idx %arg7[%add3A_383], %gather3A_380 masked %lt3A_9 : memref<25088xf32, #tpu.memory_space<vmem>>[vector<16xi32>], vector<16xf32>, vector<16xi1>
    %add3A_384 = arith.constant 53 : i32
    %add3A_385 = vector.broadcast %add3A_384 : i32 to vector<16xi32>
    %add3A_386 = arith.addi %mul3A_13, %add3A_385 : vector<16xi32>
    %gather3A_387 = tpu.vector_load_idx %arg5[%add3A_386] masked %lt3A_9 : memref<32768xf32, #tpu.memory_space<vmem>>[vector<16xi32>], vector<16xf32>, vector<16xi1>
    %add3A_388 = arith.constant 24629 : i32
    %add3A_389 = vector.broadcast %add3A_388 : i32 to vector<16xi32>
    %add3A_390 = arith.addi %mul3A_5, %add3A_389 : vector<16xi32>
    tpu.vector_store_idx %arg7[%add3A_390], %gather3A_387 masked %lt3A_9 : memref<25088xf32, #tpu.memory_space<vmem>>[vector<16xi32>], vector<16xf32>, vector<16xi1>
    %add3A_391 = arith.constant 54 : i32
    %add3A_392 = vector.broadcast %add3A_391 : i32 to vector<16xi32>
    %add3A_393 = arith.addi %mul3A_13, %add3A_392 : vector<16xi32>
    %gather3A_394 = tpu.vector_load_idx %arg5[%add3A_393] masked %lt3A_9 : memref<32768xf32, #tpu.memory_space<vmem>>[vector<16xi32>], vector<16xf32>, vector<16xi1>
    %add3A_395 = arith.constant 24630 : i32
    %add3A_396 = vector.broadcast %add3A_395 : i32 to vector<16xi32>
    %add3A_397 = arith.addi %mul3A_5, %add3A_396 : vector<16xi32>
    tpu.vector_store_idx %arg7[%add3A_397], %gather3A_394 masked %lt3A_9 : memref<25088xf32, #tpu.memory_space<vmem>>[vector<16xi32>], vector<16xf32>, vector<16xi1>
    %add3A_398 = arith.constant 55 : i32
    %add3A_399 = vector.broadcast %add3A_398 : i32 to vector<16xi32>
    %add3A_400 = arith.addi %mul3A_13, %add3A_399 : vector<16xi32>
    %gather3A_401 = tpu.vector_load_idx %arg5[%add3A_400] masked %lt3A_9 : memref<32768xf32, #tpu.memory_space<vmem>>[vector<16xi32>], vector<16xf32>, vector<16xi1>
    %add3A_402 = arith.constant 24631 : i32
    %add3A_403 = vector.broadcast %add3A_402 : i32 to vector<16xi32>
    %add3A_404 = arith.addi %mul3A_5, %add3A_403 : vector<16xi32>
    tpu.vector_store_idx %arg7[%add3A_404], %gather3A_401 masked %lt3A_9 : memref<25088xf32, #tpu.memory_space<vmem>>[vector<16xi32>], vector<16xf32>, vector<16xi1>
    %add3A_405 = arith.constant 56 : i32
    %add3A_406 = vector.broadcast %add3A_405 : i32 to vector<16xi32>
    %add3A_407 = arith.addi %mul3A_13, %add3A_406 : vector<16xi32>
    %gather3A_408 = tpu.vector_load_idx %arg5[%add3A_407] masked %lt3A_9 : memref<32768xf32, #tpu.memory_space<vmem>>[vector<16xi32>], vector<16xf32>, vector<16xi1>
    %add3A_409 = arith.constant 24632 : i32
    %add3A_410 = vector.broadcast %add3A_409 : i32 to vector<16xi32>
    %add3A_411 = arith.addi %mul3A_5, %add3A_410 : vector<16xi32>
    tpu.vector_store_idx %arg7[%add3A_411], %gather3A_408 masked %lt3A_9 : memref<25088xf32, #tpu.memory_space<vmem>>[vector<16xi32>], vector<16xf32>, vector<16xi1>
    %add3A_412 = arith.constant 57 : i32
    %add3A_413 = vector.broadcast %add3A_412 : i32 to vector<16xi32>
    %add3A_414 = arith.addi %mul3A_13, %add3A_413 : vector<16xi32>
    %gather3A_415 = tpu.vector_load_idx %arg5[%add3A_414] masked %lt3A_9 : memref<32768xf32, #tpu.memory_space<vmem>>[vector<16xi32>], vector<16xf32>, vector<16xi1>
    %add3A_416 = arith.constant 24633 : i32
    %add3A_417 = vector.broadcast %add3A_416 : i32 to vector<16xi32>
    %add3A_418 = arith.addi %mul3A_5, %add3A_417 : vector<16xi32>
    tpu.vector_store_idx %arg7[%add3A_418], %gather3A_415 masked %lt3A_9 : memref<25088xf32, #tpu.memory_space<vmem>>[vector<16xi32>], vector<16xf32>, vector<16xi1>
    %add3A_419 = arith.constant 58 : i32
    %add3A_420 = vector.broadcast %add3A_419 : i32 to vector<16xi32>
    %add3A_421 = arith.addi %mul3A_13, %add3A_420 : vector<16xi32>
    %gather3A_422 = tpu.vector_load_idx %arg5[%add3A_421] masked %lt3A_9 : memref<32768xf32, #tpu.memory_space<vmem>>[vector<16xi32>], vector<16xf32>, vector<16xi1>
    %add3A_423 = arith.constant 24634 : i32
    %add3A_424 = vector.broadcast %add3A_423 : i32 to vector<16xi32>
    %add3A_425 = arith.addi %mul3A_5, %add3A_424 : vector<16xi32>
    tpu.vector_store_idx %arg7[%add3A_425], %gather3A_422 masked %lt3A_9 : memref<25088xf32, #tpu.memory_space<vmem>>[vector<16xi32>], vector<16xf32>, vector<16xi1>
    %add3A_426 = arith.constant 59 : i32
    %add3A_427 = vector.broadcast %add3A_426 : i32 to vector<16xi32>
    %add3A_428 = arith.addi %mul3A_13, %add3A_427 : vector<16xi32>
    %gather3A_429 = tpu.vector_load_idx %arg5[%add3A_428] masked %lt3A_9 : memref<32768xf32, #tpu.memory_space<vmem>>[vector<16xi32>], vector<16xf32>, vector<16xi1>
    %add3A_430 = arith.constant 24635 : i32
    %add3A_431 = vector.broadcast %add3A_430 : i32 to vector<16xi32>
    %add3A_432 = arith.addi %mul3A_5, %add3A_431 : vector<16xi32>
    tpu.vector_store_idx %arg7[%add3A_432], %gather3A_429 masked %lt3A_9 : memref<25088xf32, #tpu.memory_space<vmem>>[vector<16xi32>], vector<16xf32>, vector<16xi1>
    %add3A_433 = arith.constant 60 : i32
    %add3A_434 = vector.broadcast %add3A_433 : i32 to vector<16xi32>
    %add3A_435 = arith.addi %mul3A_13, %add3A_434 : vector<16xi32>
    %gather3A_436 = tpu.vector_load_idx %arg5[%add3A_435] masked %lt3A_9 : memref<32768xf32, #tpu.memory_space<vmem>>[vector<16xi32>], vector<16xf32>, vector<16xi1>
    %add3A_437 = arith.constant 24636 : i32
    %add3A_438 = vector.broadcast %add3A_437 : i32 to vector<16xi32>
    %add3A_439 = arith.addi %mul3A_5, %add3A_438 : vector<16xi32>
    tpu.vector_store_idx %arg7[%add3A_439], %gather3A_436 masked %lt3A_9 : memref<25088xf32, #tpu.memory_space<vmem>>[vector<16xi32>], vector<16xf32>, vector<16xi1>
    %add3A_440 = arith.constant 61 : i32
    %add3A_441 = vector.broadcast %add3A_440 : i32 to vector<16xi32>
    %add3A_442 = arith.addi %mul3A_13, %add3A_441 : vector<16xi32>
    %gather3A_443 = tpu.vector_load_idx %arg5[%add3A_442] masked %lt3A_9 : memref<32768xf32, #tpu.memory_space<vmem>>[vector<16xi32>], vector<16xf32>, vector<16xi1>
    %add3A_444 = arith.constant 24637 : i32
    %add3A_445 = vector.broadcast %add3A_444 : i32 to vector<16xi32>
    %add3A_446 = arith.addi %mul3A_5, %add3A_445 : vector<16xi32>
    tpu.vector_store_idx %arg7[%add3A_446], %gather3A_443 masked %lt3A_9 : memref<25088xf32, #tpu.memory_space<vmem>>[vector<16xi32>], vector<16xf32>, vector<16xi1>
    %add3A_447 = arith.constant 62 : i32
    %add3A_448 = vector.broadcast %add3A_447 : i32 to vector<16xi32>
    %add3A_449 = arith.addi %mul3A_13, %add3A_448 : vector<16xi32>
    %gather3A_450 = tpu.vector_load_idx %arg5[%add3A_449] masked %lt3A_9 : memref<32768xf32, #tpu.memory_space<vmem>>[vector<16xi32>], vector<16xf32>, vector<16xi1>
    %add3A_451 = arith.constant 24638 : i32
    %add3A_452 = vector.broadcast %add3A_451 : i32 to vector<16xi32>
    %add3A_453 = arith.addi %mul3A_5, %add3A_452 : vector<16xi32>
    tpu.vector_store_idx %arg7[%add3A_453], %gather3A_450 masked %lt3A_9 : memref<25088xf32, #tpu.memory_space<vmem>>[vector<16xi32>], vector<16xf32>, vector<16xi1>
    %add3A_454 = arith.constant 63 : i32
    %add3A_455 = vector.broadcast %add3A_454 : i32 to vector<16xi32>
    %add3A_456 = arith.addi %mul3A_13, %add3A_455 : vector<16xi32>
    %gather3A_457 = tpu.vector_load_idx %arg5[%add3A_456] masked %lt3A_9 : memref<32768xf32, #tpu.memory_space<vmem>>[vector<16xi32>], vector<16xf32>, vector<16xi1>
    %add3A_458 = arith.constant 24639 : i32
    %add3A_459 = vector.broadcast %add3A_458 : i32 to vector<16xi32>
    %add3A_460 = arith.addi %mul3A_5, %add3A_459 : vector<16xi32>
    tpu.vector_store_idx %arg7[%add3A_460], %gather3A_457 masked %lt3A_9 : memref<25088xf32, #tpu.memory_space<vmem>>[vector<16xi32>], vector<16xf32>, vector<16xi1>
    %mul3A_461 = arith.constant 64 : i32
    %mul3A_462 = arith.muli %mul3A_2, %mul3A_461 : i32
    "tpu.region"() ({
      %run_scoped3A = tpu.sem_alloc : memref<!tpu.dma_semaphore, #tpu.memory_space<semaphore_mem>>
      %dma_start3A = tpu.memref_slice %arg4[%mul3A_462] : memref<802816xf32, #tpu.memory_space<hbm>> -> memref<25088xf32, #tpu.memory_space<hbm>>
      %dma_start3A_463 = tpu.memref_slice %arg4[%mul3A_462] : memref<802816xf32, #tpu.memory_space<hbm>> -> memref<25088xf32, #tpu.memory_space<hbm>>
      tpu.enqueue_dma source(%arg7 : memref<25088xf32, #tpu.memory_space<vmem>>) target(%dma_start3A_463 : memref<25088xf32, #tpu.memory_space<hbm>>) target_semaphore(%run_scoped3A : memref<!tpu.dma_semaphore, #tpu.memory_space<semaphore_mem>>)
      %dma_wait3A = tpu.memref_slice %arg4[%mul3A_462] : memref<802816xf32, #tpu.memory_space<hbm>> -> memref<25088xf32, #tpu.memory_space<hbm>>
      %dma_wait3A_464 = tpu.memref_slice %arg4[%mul3A_462] : memref<802816xf32, #tpu.memory_space<hbm>> -> memref<25088xf32, #tpu.memory_space<hbm>>
      tpu.wait_dma2 semaphore(%run_scoped3A : memref<!tpu.dma_semaphore, #tpu.memory_space<semaphore_mem>>) src(%arg7 : memref<25088xf32, #tpu.memory_space<vmem>>) dst(%dma_wait3A_464 : memref<25088xf32, #tpu.memory_space<hbm>>)
      tpu.yield
    }) : () -> ()
    return
  }
}

module attributes {stable_mosaic.version = 14 : i64} {
  func.func @_vq_idx_body(%arg0: i32, %arg1: memref<1792x64xf32, #tpu.memory_space<vmem>>, %arg2: memref<64x512xf32, #tpu.memory_space<vmem>>, %arg3: memref<1x1x1792xi32, #tpu.memory_space<vmem>>) attributes {dimension_semantics = [#tpu.dimension_semantics<arbitrary>], iteration_bounds = array<i64: 7>, scalar_prefetch = 0 : i64, scratch_operands = 0 : i64, tpu.core_type = #tpu.core_type<tc>, window_params = [{transform_indices = @transform_0, window_bounds = array<i64: 1792, 64>}, {pipeline_mode = #tpu.pipeline_mode<synchronous>, transform_indices = @transform_1, window_bounds = array<i64: 64, 512>}, {transform_indices = @transform_2, window_bounds = array<i64: 1, 1, 1792>}]} {
    %get3A = arith.constant 0 : index
    %get3A_0 = arith.constant 0 : index
    %get3A_1 = vector.load %arg1[%get3A, %get3A_0] : memref<1792x64xf32, #tpu.memory_space<vmem>>, vector<1792x64xf32>
    %get3A_2 = arith.constant 0 : index
    %get3A_3 = arith.constant 0 : index
    %get3A_4 = vector.load %arg2[%get3A_2, %get3A_3] : memref<64x512xf32, #tpu.memory_space<vmem>>, vector<64x512xf32>
    %dot_general3A = arith.constant dense<0.000000e+00> : vector<1792x512xf32>
    %dot_general3A_5 = tpu.matmul %get3A_1, %get3A_4, %dot_general3A {dimension_numbers = #tpu.dot_dimension_numbers<[1], [0], [0], [1], [0, 0, 1, 1], [], []>, transpose_lhs_hint = false} : vector<1792x64xf32>, vector<64x512xf32>, vector<1792x512xf32> -> vector<1792x512xf32>
    %mul3A = arith.mulf %get3A_4, %get3A_4 : vector<64x512xf32>
    %reduce_sum3A = arith.constant dense<0.000000e+00> : vector<512xf32>
    %reduce_sum3A_6 = vector.multi_reduction <add>, %mul3A, %reduce_sum3A [0] : vector<64x512xf32> to vector<512xf32>
    %broadcast_in_dim3A = vector.shape_cast %reduce_sum3A_6 : vector<512xf32> to vector<1x512xf32>
    %mul3A_7 = arith.mulf %get3A_1, %get3A_1 : vector<1792x64xf32>
    %reduce_sum3A_8 = arith.constant dense<0.000000e+00> : vector<1792xf32>
    %reduce_sum3A_9 = vector.multi_reduction <add>, %mul3A_7, %reduce_sum3A_8 [1] : vector<1792x64xf32> to vector<1792xf32>
    %broadcast_in_dim3A_10 = vector.shape_cast %reduce_sum3A_9 : vector<1792xf32> to vector<1792x1xf32>
    %mul3A_11 = arith.constant 2.000000e+00 : f32
    %mul3A_12 = vector.broadcast %mul3A_11 : f32 to vector<1792x512xf32>
    %mul3A_13 = arith.mulf %mul3A_12, %dot_general3A_5 : vector<1792x512xf32>
    %sub3A = vector.broadcast %broadcast_in_dim3A_10 : vector<1792x1xf32> to vector<1792x512xf32>
    %sub3A_14 = arith.subf %sub3A, %mul3A_13 : vector<1792x512xf32>
    %add3A = vector.broadcast %broadcast_in_dim3A : vector<1x512xf32> to vector<1792x512xf32>
    %add3A_15 = arith.addf %sub3A_14, %add3A : vector<1792x512xf32>
    %argmin3A = tpu.reduce_index %add3A_15 {axis = 1 : i32, kind = #tpu.reduction_kind<arg_min>} : vector<1792x512xf32> -> vector<1792xi32>
    %reshape3A = vector.shape_cast %argmin3A : vector<1792xi32> to vector<1x1x1792xi32>
    %swap3A = arith.constant 0 : index
    %swap3A_16 = arith.constant 0 : index
    %swap3A_17 = arith.constant 0 : index
    %swap3A_18 = vector.load %arg3[%swap3A, %swap3A_16, %swap3A_17] : memref<1x1x1792xi32, #tpu.memory_space<vmem>>, vector<1x1x1792xi32>
    tpu.vector_store %arg3[%swap3A, %swap3A_16, %swap3A_17], %reshape3A {strides = array<i32>} : memref<1x1x1792xi32, #tpu.memory_space<vmem>>, vector<1x1x1792xi32>,
    return
  }
  func.func @transform_0(%arg0: i32) -> (i32, i32) {
    %c0_i32 = arith.constant 0 : i32
    %c0_i32_0 = arith.constant 0 : i32
    return %arg0, %c0_i32 : i32, i32
  }
  func.func @transform_1(%arg0: i32) -> (i32, i32) {
    %c0_i32 = arith.constant 0 : i32
    %c0_i32_0 = arith.constant 0 : i32
    %c0_i32_1 = arith.constant 0 : i32
    return %c0_i32, %c0_i32_0 : i32, i32
  }
  func.func @transform_2(%arg0: i32) -> (i32, i32, i32) {
    %c0_i32 = arith.constant 0 : i32
    %c0_i32_0 = arith.constant 0 : i32
    %c0_i32_1 = arith.constant 0 : i32
    return %arg0, %c0_i32, %c0_i32_0 : i32, i32, i32
  }
}

</mosaic_0001>

<sc_bundles>
// kernel: kernel.4.cloned.1.call-start
scs
__scs_entry_jumppad:
0x0: {  	(pc) =	sbr.rel $0x88, $3  }
0x1: {  	(tag) =	ssettag $0x0;
	lr =	simm.s32 $0x1  }
0x2: {  	[smem:$0x3F89] =	sst lr;
	_ =	strace $0xD0000000  }
0x3: {  	_ = 	snop  }
0x4: {  	_ = 	snop  }
0x5: {  	_ = 	snop  }
0x6: {  	_ = 	snop  }
0x7: {  	_ = 	snop  }
__scs_overlays_trampoline_lowered:
0x8: {  	[smem:$0x3F98] =	sst s0  }
0x9: {  	[smem:$0x3F99] =	sst s1  }
0xa: {  	[smem:$0x3F9A] =	sst s2  }
0xb: {  	[smem:$0x3F9B] =	sst s3  }
0xc: {  	[smem:$0x3F9C] =	sst s4  }
0xd: {  	[smem:$0x3F9D] =	sst s5  }
0xe: {  	[smem:$0x3F9E] =	sst s6  }
0xf: {  	[smem:$0x3F9F] =	sst s7  }
0x10: {  	[smem:$0x3FA0] =	sst s8  }
0x11: {  	[smem:$0x3FA1] =	sst s9;
	s0 =	simm.s32 @!p0 $0x0  }
0x12: {  	s1 =	sld [smem:$0x3F87];
	s0 =	simm.s32 @p0 $0x1  }
0x13: {  	[smem:$0x3FA2] =	sst s0;
	s0 =	simm.s32 @!p1 $0x0  }
0x14: {  	s2 =	sld [smem:$0x3F86];
	s0 =	simm.s32 @p1 $0x1  }
0x15: {  	[smem:$0x3FA3] =	sst s0;
	s0 =	simm.s32 @!p2 $0x0  }
0x16: {  	s3 =	sld [smem:$0x3FDB];
	s0 =	simm.s32 @p2 $0x1  }
0x17: {  	s4 =	simm.s32 $0x1BF5;
	[smem:$0x3FA5] =	sst s0  }
0x18: {  	s0 =	sld [smem:$0x3F88];
	_ =	swait.ge [sflag:s4], $0x0  }
0x19: {  	s7 =	sld [smem:$0x3F89]  }
0x1a: {  	s8 =	sadd.s32 $0xFFFFE003, lr  }
0x1b: {  	s9 =	sadd.s32 $0xFFFFFEF7, lr;
	s5 =	simm.s32 $0xFFFFFFFF;
	p2 =	slt.u32 s8, $0xFFFFF086  }
0x1c: {  	p1 =	slt.u32 s9, $0xF7A;
	s5 =	simm.s32 @!p2 $0x0  }
0x1d: {  	s5 =	simm.s32 @p1 $0x1;
	p0 =	seq.s32 s7, s2  }
0x1e: {  	s7 =	smul.u32 @!p0 $0xF7A, s2;
	p2 =	seq.s32 @!p0 s5, $0x0  }
0x1f: {  	s9 =	smul.u32 $0xF7A, s1;
	s8 =	simm.s32 @!p0 $0x1BF5;
	p2 =	por !p2, p0  }
0x20: {  	[sflag:s8] =	ssyncset.s32 @!p0 $0xFFFFF086;
	s6 =	sadd.s32 @!p0 s3, s7;
	s7 =	simm.s32 @!p0 $0x108  }
0x21: {  	s3 =	sadd.s32 s3, s9;
	s6 =	sadd.s32 @!p0 $0x88, s6;
	s7 =	simm.s32 @p2 $0x1082  }
0x22: {  	[simem:s7], [sflag:s8] =	dma.local @!p0 [hbm:s6], $0xF7A  }
0x23: {  	s9 =	sor.u32 $0xD0000000, s2;
	s6 =	simm.s32 $0x108;
	_ =	swait.ge @!p0 [sflag:s8], $0x0  }
0x24: {  	s3 =	sadd.s32 $0x88, s3;
	s6 =	simm.s32 @!p1 $0x1082;
	[sflag:s4] =	ssyncset.s32 $0xFFFFF086  }
0x25: {  	[simem:s6], [sflag:s4] =	dma.local [hbm:s3], $0xF7A  }
0x26: {  	[smem:$0x3F89] =	sst s1;
	(tag) =	ssettag s2;
	_ =	strace s9  }
0x27: {  	s1 =	sld [smem:$0x3F99]  }
0x28: {  	s2 =	sld [smem:$0x3F9A]  }
0x29: {  	s4 =	sld [smem:$0x3F9C]  }
0x2a: {  	p0 =	seq.s32 s5, $0x0;
	s5 =	sld [smem:$0x3F9D]  }
0x2b: {  	s6 =	sld [smem:$0x3F9E]  }
0x2c: {  	s7 =	sld [smem:$0x3F9F]  }
0x2d: {  	s3 =	simm.s32 $0x108;
	s8 =	sld [smem:$0x3FA0]  }
0x2e: {  	s3 =	simm.s32 @!p0 $0x1082;
	s9 =	sld [smem:$0x3FA1]  }
0x2f: {  	lr =	sadd.s32 s0, s3;
	s0 =	sld [smem:$0x3F98]  }
0x30: {  	s3 =	sld [smem:$0x3F9B]  }
0x31: {  	[smem:$0x3FA4] =	sst s10  }
0x32: {  	s10 =	sld [smem:$0x3FA2];
	_ =	sdelay $0x3  }
0x33: {  	p0 =	seq.s32 s10, $0x1;
	s10 =	sld [smem:$0x3FA4];
	_ =	sdelay $0x3  }
0x34: {  	[smem:$0x3FA4] =	sst s10  }
0x35: {  	s10 =	sld [smem:$0x3FA3];
	_ =	sdelay $0x3  }
0x36: {  	p1 =	seq.s32 s10, $0x1;
	s10 =	sld [smem:$0x3FA4];
	_ =	sdelay $0x3  }
0x37: {  	[smem:$0x3FA4] =	sst s10  }
0x38: {  	s10 =	sld [smem:$0x3FA5]  }
0x39: {  	_ = 	snop;
	(pc) =	sbr.ind lr, $3  }
0x3a: {  	_ = 	snop  }
0x3b: {  	_ = 	snop  }
0x3c: {  	p2 =	seq.s32 s10, $0x1;
	s10 =	sld [smem:$0x3FA4]  }
0x3d: {  	_ =	shalt  }
0x3e: {  	_ =	shalt  }
0x3f: {  	_ =	shalt  }
0x40: {  	_ =	shalt  }
0x41: {  	_ =	shalt  }
0x42: {  	_ =	shalt  }
0x43: {  	_ =	shalt  }
0x44: {  	_ =	shalt  }
0x45: {  	_ =	shalt  }
0x46: {  	_ =	shalt  }
0x47: {  	_ =	shalt  }
0x48: {  	_ =	shalt  }
0x49: {  	_ =	shalt  }
0x4a: {  	_ =	shalt  }
0x4b: {  	_ =	shalt  }
0x4c: {  	_ =	shalt  }
0x4d: {  	_ =	shalt  }
0x4e: {  	_ =	shalt  }
0x4f: {  	_ =	shalt  }
0x50: {  	_ =	shalt  }
0x51: {  	_ =	shalt  }
0x52: {  	_ =	shalt  }
0x53: {  	_ =	shalt  }
0x54: {  	_ =	shalt  }
0x55: {  	_ =	shalt  }
0x56: {  	_ =	shalt  }
0x57: {  	_ =	shalt  }
0x58: {  	_ =	shalt  }
0x59: {  	_ =	shalt  }
0x5a: {  	_ =	shalt  }
0x5b: {  	_ =	shalt  }
0x5c: {  	_ =	shalt  }
0x5d: {  	_ =	shalt  }
0x5e: {  	_ =	shalt  }
0x5f: {  	_ =	shalt  }
0x60: {  	_ =	shalt  }
0x61: {  	_ =	shalt  }
0x62: {  	_ =	shalt  }
0x63: {  	_ =	shalt  }
0x64: {  	_ =	shalt  }
0x65: {  	_ =	shalt  }
0x66: {  	_ =	shalt  }
0x67: {  	_ =	shalt  }
0x68: {  	_ =	shalt  }
0x69: {  	_ =	shalt  }
0x6a: {  	_ =	shalt  }
0x6b: {  	_ =	shalt  }
0x6c: {  	_ =	shalt  }
0x6d: {  	_ =	shalt  }
0x6e: {  	_ =	shalt  }
0x6f: {  	_ =	shalt  }
0x70: {  	_ =	shalt  }
0x71: {  	_ =	shalt  }
0x72: {  	_ =	shalt  }
0x73: {  	_ =	shalt  }
0x74: {  	_ =	shalt  }
0x75: {  	_ =	shalt  }
0x76: {  	_ =	shalt  }
0x77: {  	_ =	shalt  }
0x78: {  	_ =	shalt  }
0x79: {  	_ =	shalt  }
0x7a: {  	_ =	shalt  }
0x7b: {  	_ =	shalt  }
0x7c: {  	_ =	shalt  }
0x7d: {  	_ =	shalt  }
0x7e: {  	_ =	shalt  }
0x7f: {  	_ =	shalt  }
0x80: {  	_ =	shalt  }
0x81: {  	_ =	shalt  }
0x82: {  	_ =	shalt  }
0x83: {  	_ =	shalt  }
0x84: {  	_ =	shalt  }
0x85: {  	_ =	shalt  }
0x86: {  	_ =	shalt  }
0x87: {  	_ =	shalt  }
.Lfunc_end0:
.L_simem_size_0:
called_computation_lowered:
.L_overlay_start_0:
0x88: {  	s2 =	sld [smem:$0x3FD9]  }
0x89: {  	s3 =	sld [smem:$0x3FFE];
	_ =	sdelay $0x1  }
0x8a: {  	s1 =	srdreg.scid  }
0x8b: {  	s0 =	sand.u32 $0x1, s1  }
0x8c: {  	s17 =	sshll.u32 s0, $0xA;
	s2 =	sadd.s32 s3, s2  }
0x8d: {  	s2 =	sadd.s32 s2, s17  }
0x8e: {  	[smem:$0x3FB0] =	sst s2  }
0x8f: {  	_ = 	snop  }
0x90: {  	s2 =	sld [smem:$0x3FD0];
	(tm) =	ssettm $0x1  }
0x91: {  	s18 =	sld [smem:$0x3FFB];
	_ =	sdelay $0x3  }
0x92: {  	_ =	strace s18  }
0x93: {  	s3 =	sld [smem:$0x3FFC];
	_ =	sdelay $0x3  }
0x94: {  	_ =	strace s3  }
0x95: {  	s3 =	sld [smem:$0x3FFD];
	_ =	sdelay $0x3  }
0x96: {  	_ =	strace s3  }
0x97: {  	_ =	strace $0x8FFFFFFF  }
0x98: {  	s19 =	sld [smem:$0x3FDB];
	_ =	sdelay $0x1  }
0x99: {  	s4 =	simm.s32 $_scs_section_size  }
0x9a: {  	s5 =	simm.s32 $_size__tile_overlayer_lowered;
	s6 =	simm.s32 $_tile_overlayer_lowered  }
0x9b: {  	s22 =	simm.s32 $0x1BFF;
	s21 =	sshll.u32 s6, $0x1;
	s3 =	sadd.s32 s4, s19  }
0x9c: {  	s7 =	simm.s32 $0x0;
	s20 =	sshll.u32 s5, $0x1;
	s5 =	sadd.s32 s21, s3  }
0x9d: {  	[timem:s7], [sflag:s22] =	dma.local [hbm:s5], s20  }
0x9e: {  	_ =	swait.ge [sflag:s22], s20  }
0x9f: {  	s4 =	ssub.s32 $0x0, s20;
	[sflag:s22] =	ssyncset.done $0x0  }
0xa0: {  	[sflag:s22] =	ssyncadd.s32 s4;
	_ =	sdelay $0x1  }
0xa1: {  	s23 =	simm.s32 $0x1B8B  }
0xa2: {  	_ =	swait.ge [sflag:s23], $0x1  }
0xa3: {  	[sflag:s23] =	ssyncset.done $0x0  }
0xa4: {  	s25 =	simm.s32 $0x1B8E;
	s24 =	sld [smem:$0x3FFE];
	[sflag:s23] =	ssyncadd.s32 $0xFFFFFFFF  }
0xa5: {  	s26 =	simm.s32 $execute0_lowered;
	[smem:$0x3FD2] =	sst s25  }
0xa6: {  	s5 =	sshll.u32 s26, $0x1;
	_ =	strace $0x80000046;
	[dreg:$0x1] =	wrdreg $0xFFFFFFFF  }
0xa7: {  	s28 =	simm.s32 $_size_execute0_lowered;
	s3 =	sadd.s32 s3, s5;
	[dreg:$0x0] =	wrdreg $0x0  }
0xa8: {  	s5 =	sshll.u32 s28, $0x1;
	[dreg:$0x2] =	wrdreg s3  }
0xa9: {  	[dreg:$0x3] =	wrdreg s5  }
0xaa: {  	[dreg:$0x4] =	wrdreg $0xC0  }
0xab: {  	_ =	task [dreg:s7], $0x5FFFF  }
0xac: {  	[dreg:$0x1] =	wrdreg $0xFFFFFFFF  }
0xad: {  	[dreg:$0x0] =	wrdreg $0x60  }
0xae: {  	[dreg:$0x2] =	wrdreg s2  }
0xaf: {  	[dreg:$0x3] =	wrdreg s24  }
0xb0: {  	[dreg:$0x4] =	wrdreg $0x9  }
0xb1: {  	_ =	task.clear_ibuf [dreg:s7], $0x5FFFF;
	_ =	strace $0x90000046  }
0xb2: {  	s29 =	simm.s32 $0x9;
	_ =	strace $0x80000048  }
0xb3: {  	_ =	swait.ge [sflag:s29], $0x1  }
0xb4: {  	[sflag:s29] =	ssyncadd.s32 $0xFFFFFFFF  }
0xb5: {  	_ =	strace $0x90000048  }
0xb6: {  	_ =	sfence  }
0xb7: {  	s30 =	sld [smem:$0x0];
	_ =	sdelay $0x2  }
0xb8: {  	s31 =	sshll.u32 s1, $0xD;
	s1 =	sshrl.u32 s1, $0x2  }
0xb9: {  	s3 =	sand.u32 $0x4000, s31;
	s1 =	sadd.s32 s1, s30  }
0xba: {  	s0 =	sor.u32 s3, s0;
	s1 =	sshll.u32 s1, $0x11  }
0xbb: {  	s0 =	sor.u32 s1, s0  }
0xbc: {  	s0 =	sadd.s32 $0x8F2B, s0  }
0xbd: {  	[sflag:s0] =	ssyncadd.remote.s32 $0x1  }
0xbe: {  	_ =	sfence.sel $0xFFFF  }
0xbf: {  	[dreg:$0x0] =	wrdreg $0xFFFFFFFF;
	(pc) =	sbr.abs _section_cstart, $3  }
0xc0: {  	[dreg:$0x1] =	wrdreg $0xFFFFFFFF  }
0xc1: {  	_ =	task.clear_ibuf [dreg:s7], $0x2FFFF;
	_ =	strace $0x9FFFFFFF  }
0xc2: {  	(tm) =	ssettm $0x7FFFFFFF  }
0xc3: {  	_ =	shalt  }
tec
execute0_lowered:
.L_overlay_start_1:
0x0: {  	(tag) =	ssettag $0x1  }
0x1: {  	v0 =	vlaneseq.u32  }
0x2: {  	v0 =	vmul.u32 $0x40, v0;
	_ =	sdelay $0x1  }
0x3: {  	v1 =	vor.u32 $0x1, v0;
	v2 =	vor.u32 $0x2, v0  }
0x4: {  	v3 =	vor.u32 $0x3, v0;
	v4 =	vor.u32 $0x4, v0;
	v5 =	vor.u32 $0x5, v0  }
0x5: {  	v6 =	vor.u32 $0x6, v0;
	v7 =	vor.u32 $0x7, v0;
	v8 =	vor.u32 $0x6000, v0  }
0x6: {  	v20 =	vor.u32 $0x600C, v0;
	v21 =	vor.u32 $0x600D, v0;
	v22 =	vor.u32 $0x600E, v0  }
0x7: {  	v23 =	vor.u32 $0x600F, v0;
	v24 =	vor.u32 $0x6010, v0;
	v25 =	vor.u32 $0x6011, v0  }
0x8: {  	v26 =	vor.u32 $0x6012, v0;
	v27 =	vor.u32 $0x6013, v0;
	v28 =	vor.u32 $0x6014, v0  }
0x9: {  	v29 =	vor.u32 $0x6015, v0;
	v30 =	vor.u32 $0x6016, v0;
	v31 =	vor.u32 $0x6017, v0  }
0xa: {  	v32 =	vor.u32 $0x6018, v0;
	v33 =	vor.u32 $0x6019, v0;
	[tilespmem:$0x1FF40] =	vst v8;
	v8 =	vor.u32 $0x6001, v0  }
0xb: {  	v34 =	vor.u32 $0x601A, v0;
	v35 =	vor.u32 $0x601B, v0;
	[tilespmem:$0x1FF50] =	vst v8;
	v8 =	vor.u32 $0x6002, v0  }
0xc: {  	v36 =	vor.u32 $0x601C, v0;
	v37 =	vor.u32 $0x601D, v0;
	[tilespmem:$0x1FF60] =	vst v8;
	v8 =	vor.u32 $0x6003, v0  }
0xd: {  	v38 =	vor.u32 $0x601E, v0;
	v39 =	vor.u32 $0x601F, v0;
	[tilespmem:$0x1FF70] =	vst v8;
	v8 =	vor.u32 $0x6004, v0  }
0xe: {  	s2 =	srdreg.scid;
	s0 =	stileid.u32;
	v40 =	vor.u32 $0x6020, v0;
	v41 =	vor.u32 $0x6021, v0;
	[tilespmem:$0x1FF80] =	vst v8;
	v8 =	vor.u32 $0x6005, v0  }
0xf: {  	s1 =	rddreg [dreg:$0x0];
	s4 =	sand.u32 $0x1, s2;
	s30 =	sshll.u32 s0, $0x1;
	v42 =	vor.u32 $0x6022, v0;
	v43 =	vor.u32 $0x6023, v0;
	[tilespmem:$0x1FF90] =	vst v8;
	v8 =	vor.u32 $0x6006, v0  }
0x10: {  	s5 =	rddreg [dreg:$0x1];
	s3 =	simm.s32 $0x0;
	s6 =	sor.u32 s4, s30;
	v44 =	vor.u32 $0x6024, v0;
	v45 =	vor.u32 $0x6025, v0;
	[tilespmem:$0x1FFA0] =	vst v8;
	v8 =	vor.u32 $0x6007, v0  }
0x11: {  	s8 =	simm.s32 $0x2;
	s9 =	simm.s32 $0x1;
	s7 =	smul.u32 $0x31, s6;
	v46 =	vor.u32 $0x6026, v0;
	v47 =	vor.u32 $0x6027, v0;
	[tilespmem:$0x1FFB0] =	vst v8;
	v8 =	vor.u32 $0x6008, v0  }
0x12: {  	s10 =	simm.s32 $0x8198;
	s2 =	rddreg [dreg:$0x2];
	s6 =	smul.u32 $0xC40, s6;
	v48 =	vor.u32 $0x6028, v0;
	v49 =	vor.u32 $0x6029, v0;
	[tilespmem:$0x1FFC0] =	vst v8;
	v8 =	vor.u32 $0x6009, v0  }
0x13: {  	s11 =	simm.s32 $0x0;
	[smem:$0x7FF] =	sst s3;
	s4 =	ssub.s32 $0x2, s4;
	v50 =	vor.u32 $0x602A, v0;
	v51 =	vor.u32 $0x602B, v0;
	[tilespmem:$0x1FFD0] =	vst v8;
	v8 =	vor.u32 $0x600A, v0  }
0x14: {  	s31 =	sshrl.u32 s4, $0x1;
	v52 =	vor.u32 $0x602C, v0;
	v53 =	vor.u32 $0x602D, v0;
	s7 =	sadd.s32 s7, s5;
	s5 =	sadd.s32 s6, s5;
	[tilespmem:$0x1FFE0] =	vst v8;
	v8 =	vor.u32 $0x600B, v0  }
0x15: {  	v54 =	vor.u32 $0x602E, v0;
	v55 =	vor.u32 $0x602F, v0;
	v56 =	vor.u32 $0x6030, v0;
	s6 =	ssub.s32 s4, s31;
	s4 =	sadd.s32 $0x4200, s7;
	s5 =	sadd.s32 $0x4A00, s5;
	[tilespmem:$0x1FFF0] =	vst v8  }
0x16: {  	v57 =	vor.u32 $0x6031, v0;
	v58 =	vor.u32 $0x6032, v0;
	v59 =	vor.u32 $0x6033, v0;
	s6 =	smax.u32 s6, $0x1;
	s7 =	simm.s32 $0x8000;
	_ =	strace $0x80000047  }
.LBB2_1:
0x17: {  	[tilespmem:s3], [sflag:$0x1] =	stream.linear.gather [hbm4b:s1+s3], $0x8000, $0x38;
	[tilespmem:$0xE398] =	vst v63  }
0x18: {  	_ = 	snop  }
0x19: {  	[tilespmem:s7], [sflag:$0x2] =	stream.linear.gather [hbm4b:s4+s3], $0x188, $0x38;
	[tilespmem:$0xE398] =	vst v63  }
0x1a: {  	_ =	swait.ge [sflag:s8], $0x188  }
0x1b: {  	[sflag:s8] =	ssyncset.done $0x0  }
0x1c: {  	[sflag:s8] =	ssyncadd.s32 $0xFFFFFE78  }
0x1d: {  	_ =	swait.ge [sflag:s9], $0x8000  }
0x1e: {  	[sflag:s9] =	ssyncset.done $0x0  }
0x1f: {  	s12 =	simm.s32 $0x0;
	[sflag:s9] =	ssyncadd.s32 $0xFFFF8000  }
.LBB2_2:
0x20: {  	s13 =	sshll.u32 s12, $0x4  }
0x21: {  	s13 =	sand.u32 $0x3FFFFFF0, s13  }
0x22: {  	v60 =	vld [tilespmem:s13+$0x8000];
	_ =	sdelay $0x4  }
0x23: {  	v60 =	vshll.u32 v60, $0x6;
	_ =	sdelay $0x3  }
0x24: {  	s13 =	sshll.u32 s12, $0xA  }
0x25: {  	v62 =	vor.u32 s13, v0;
	v61 =	vld.idx.msk [tilespmem:v60+s3+$0x0], $0xffff  }
0x26: {  	v63 =	vor.u32 $0x1, v60;
	_ =	sdelay $0x3  }
0x27: {  	s14 =	sor.u32 $0x1, s13;
	[tilespmem:v62+s10+$0x0] =	vst.idx.msk $0xffff, v61  }
0x28: {  	v14 =	vor.u32 s14, v0;
	v61 =	vld.idx.msk [tilespmem:v63+s3+$0x0], $0xffff  }
0x29: {  	v15 =	vor.u32 $0x2, v60;
	_ =	sdelay $0x3  }
0x2a: {  	s24 =	sor.u32 $0x2, s13;
	[tilespmem:v14+s10+$0x0] =	vst.idx.msk $0xffff, v61  }
0x2b: {  	v16 =	vor.u32 s24, v0;
	v61 =	vld.idx.msk [tilespmem:v15+s3+$0x0], $0xffff  }
0x2c: {  	v17 =	vor.u32 $0x3, v60;
	_ =	sdelay $0x3  }
0x2d: {  	s25 =	sor.u32 $0x3, s13;
	[tilespmem:v16+s10+$0x0] =	vst.idx.msk $0xffff, v61  }
0x2e: {  	v9 =	vor.u32 s25, v0;
	v61 =	vld.idx.msk [tilespmem:v17+s3+$0x0], $0xffff  }
0x2f: {  	v10 =	vor.u32 $0x4, v60;
	_ =	sdelay $0x3  }
0x30: {  	s26 =	sor.u32 $0x4, s13;
	[tilespmem:v9+s10+$0x0] =	vst.idx.msk $0xffff, v61  }
0x31: {  	v11 =	vor.u32 s26, v0;
	v61 =	vld.idx.msk [tilespmem:v10+s3+$0x0], $0xffff  }
0x32: {  	v12 =	vor.u32 $0x5, v60;
	_ =	sdelay $0x3  }
0x33: {  	s28 =	sor.u32 $0x5, s13;
	[tilespmem:v11+s10+$0x0] =	vst.idx.msk $0xffff, v61  }
0x34: {  	v13 =	vor.u32 s28, v0;
	v61 =	vld.idx.msk [tilespmem:v12+s3+$0x0], $0xffff  }
0x35: {  	v14 =	vor.u32 $0x6, v60;
	_ =	sdelay $0x3  }
0x36: {  	s29 =	sor.u32 $0x6, s13;
	[tilespmem:v13+s10+$0x0] =	vst.idx.msk $0xffff, v61  }
0x37: {  	v15 =	vor.u32 s29, v0;
	v61 =	vld.idx.msk [tilespmem:v14+s3+$0x0], $0xffff  }
0x38: {  	v16 =	vor.u32 $0x7, v60;
	_ =	sdelay $0x3  }
0x39: {  	s30 =	sor.u32 $0x7, s13;
	[tilespmem:v15+s10+$0x0] =	vst.idx.msk $0xffff, v61  }
0x3a: {  	v17 =	vor.u32 s30, v0;
	v61 =	vld.idx.msk [tilespmem:v16+s3+$0x0], $0xffff;
	_ =	sdelay $0x2  }
0x3b: {  	s31 =	sor.u32 $0x1, s12  }
0x3c: {  	s17 =	sor.u32 $0x2, s12;
	s15 =	sshll.u32 s31, $0x4  }
0x3d: {  	s18 =	sor.u32 $0x3, s12;
	s16 =	sshll.u32 s17, $0x4;
	s15 =	sand.u32 $0x3FFFFFF0, s15;
	[tilespmem:v17+s10+$0x0] =	vst.idx.msk $0xffff, v61  }
0x3e: {  	s20 =	sshll.u32 s18, $0x4;
	s19 =	sand.u32 $0x3FFFFFF0, s16;
	v61 =	vld [tilespmem:s15+$0x8000]  }
0x3f: {  	s21 =	sand.u32 $0x3FFFFFF0, s20;
	v62 =	vld [tilespmem:s19+$0x8000]  }
0x40: {  	v8 =	vld [tilespmem:s21+$0x8000];
	_ =	sdelay $0x2  }
0x41: {  	v63 =	vshll.u32 v61, $0x6  }
0x42: {  	v62 =	vshll.u32 v62, $0x6  }
0x43: {  	v61 =	vshll.u32 v8, $0x6;
	_ =	sdelay $0x1  }
0x44: {  	s16 =	sshll.u32 s31, $0xA  }
0x45: {  	v9 =	vor.u32 s16, v0;
	s15 =	sshll.u32 s17, $0xA;
	v8 =	vld.idx.msk [tilespmem:v63+s3+$0x0], $0xffff  }
0x46: {  	s14 =	sshll.u32 s18, $0xA;
	v12 =	vor.u32 s15, v0;
	v10 =	vor.u32 $0x1, v63;
	v11 =	vld.idx.msk [tilespmem:v62+s3+$0x0], $0xffff  }
0x47: {  	v15 =	vor.u32 s14, v0;
	v13 =	vor.u32 $0x1, v62;
	v14 =	vld.idx.msk [tilespmem:v61+s3+$0x0], $0xffff  }
0x48: {  	v16 =	vor.u32 $0x1, v61;
	_ =	sdelay $0x1  }
0x49: {  	[tilespmem:v9+s10+$0x0] =	vst.idx.msk $0xffff, v8  }
0x4a: {  	v9 =	vor.u32 s16, v1;
	[tilespmem:v12+s10+$0x0] =	vst.idx.msk $0xffff, v11;
	v8 =	vld.idx.msk [tilespmem:v10+s3+$0x0], $0xffff  }
0x4b: {  	v12 =	vor.u32 s15, v1;
	[tilespmem:v15+s10+$0x0] =	vst.idx.msk $0xffff, v14;
	v10 =	vor.u32 $0x2, v63;
	v11 =	vld.idx.msk [tilespmem:v13+s3+$0x0], $0xffff  }
0x4c: {  	v15 =	vor.u32 s14, v1;
	v13 =	vor.u32 $0x2, v62;
	v14 =	vld.idx.msk [tilespmem:v16+s3+$0x0], $0xffff  }
0x4d: {  	v16 =	vor.u32 $0x2, v61;
	_ =	sdelay $0x1  }
0x4e: {  	[tilespmem:v9+s10+$0x0] =	vst.idx.msk $0xffff, v8  }
0x4f: {  	v9 =	vor.u32 s16, v2;
	[tilespmem:v12+s10+$0x0] =	vst.idx.msk $0xffff, v11;
	v8 =	vld.idx.msk [tilespmem:v10+s3+$0x0], $0xffff  }
0x50: {  	v12 =	vor.u32 s15, v2;
	[tilespmem:v15+s10+$0x0] =	vst.idx.msk $0xffff, v14;
	v10 =	vor.u32 $0x3, v63;
	v11 =	vld.idx.msk [tilespmem:v13+s3+$0x0], $0xffff  }
0x51: {  	v15 =	vor.u32 s14, v2;
	v13 =	vor.u32 $0x3, v62;
	v14 =	vld.idx.msk [tilespmem:v16+s3+$0x0], $0xffff  }
0x52: {  	v16 =	vor.u32 $0x3, v61;
	_ =	sdelay $0x1  }
0x53: {  	[tilespmem:v9+s10+$0x0] =	vst.idx.msk $0xffff, v8  }
0x54: {  	v9 =	vor.u32 s16, v3;
	[tilespmem:v12+s10+$0x0] =	vst.idx.msk $0xffff, v11;
	v8 =	vld.idx.msk [tilespmem:v10+s3+$0x0], $0xffff  }
0x55: {  	v12 =	vor.u32 s15, v3;
	[tilespmem:v15+s10+$0x0] =	vst.idx.msk $0xffff, v14;
	v10 =	vor.u32 $0x4, v63;
	v11 =	vld.idx.msk [tilespmem:v13+s3+$0x0], $0xffff  }
0x56: {  	v15 =	vor.u32 s14, v3;
	v13 =	vor.u32 $0x4, v62;
	v14 =	vld.idx.msk [tilespmem:v16+s3+$0x0], $0xffff  }
0x57: {  	v16 =	vor.u32 $0x4, v61;
	_ =	sdelay $0x1  }
0x58: {  	[tilespmem:v9+s10+$0x0] =	vst.idx.msk $0xffff, v8  }
0x59: {  	v9 =	vor.u32 s16, v4;
	[tilespmem:v12+s10+$0x0] =	vst.idx.msk $0xffff, v11;
	v8 =	vld.idx.msk [tilespmem:v10+s3+$0x0], $0xffff  }
0x5a: {  	v12 =	vor.u32 s15, v4;
	[tilespmem:v15+s10+$0x0] =	vst.idx.msk $0xffff, v14;
	v10 =	vor.u32 $0x5, v63;
	v11 =	vld.idx.msk [tilespmem:v13+s3+$0x0], $0xffff  }
0x5b: {  	v15 =	vor.u32 s14, v4;
	v13 =	vor.u32 $0x5, v62;
	v14 =	vld.idx.msk [tilespmem:v16+s3+$0x0], $0xffff  }
0x5c: {  	v16 =	vor.u32 $0x5, v61;
	_ =	sdelay $0x1  }
0x5d: {  	[tilespmem:v9+s10+$0x0] =	vst.idx.msk $0xffff, v8  }
0x5e: {  	v9 =	vor.u32 s16, v5;
	[tilespmem:v12+s10+$0x0] =	vst.idx.msk $0xffff, v11;
	v8 =	vld.idx.msk [tilespmem:v10+s3+$0x0], $0xffff  }
0x5f: {  	v12 =	vor.u32 s15, v5;
	[tilespmem:v15+s10+$0x0] =	vst.idx.msk $0xffff, v14;
	v10 =	vor.u32 $0x6, v63;
	v11 =	vld.idx.msk [tilespmem:v13+s3+$0x0], $0xffff  }
0x60: {  	v15 =	vor.u32 s14, v5;
	v13 =	vor.u32 $0x6, v62;
	v14 =	vld.idx.msk [tilespmem:v16+s3+$0x0], $0xffff  }
0x61: {  	v16 =	vor.u32 $0x6, v61;
	_ =	sdelay $0x1  }
0x62: {  	[tilespmem:v9+s10+$0x0] =	vst.idx.msk $0xffff, v8  }
0x63: {  	v9 =	vor.u32 s16, v6;
	[tilespmem:v12+s10+$0x0] =	vst.idx.msk $0xffff, v11;
	v8 =	vld.idx.msk [tilespmem:v10+s3+$0x0], $0xffff  }
0x64: {  	v12 =	vor.u32 s15, v6;
	[tilespmem:v15+s10+$0x0] =	vst.idx.msk $0xffff, v14;
	v10 =	vor.u32 $0x7, v63;
	v11 =	vld.idx.msk [tilespmem:v13+s3+$0x0], $0xffff  }
0x65: {  	v15 =	vor.u32 s14, v6;
	v13 =	vor.u32 $0x7, v62;
	v14 =	vld.idx.msk [tilespmem:v16+s3+$0x0], $0xffff  }
0x66: {  	v16 =	vor.u32 $0x7, v61;
	_ =	sdelay $0x1  }
0x67: {  	[tilespmem:v9+s10+$0x0] =	vst.idx.msk $0xffff, v8  }
0x68: {  	v8 =	vor.u32 $0x8, v60;
	[tilespmem:v12+s10+$0x0] =	vst.idx.msk $0xffff, v11;
	v9 =	vld.idx.msk [tilespmem:v10+s3+$0x0], $0xffff;
	v10 =	vor.u32 s16, v7  }
0x69: {  	v11 =	vor.u32 $0x8, v63;
	[tilespmem:v15+s10+$0x0] =	vst.idx.msk $0xffff, v14;
	v12 =	vld.idx.msk [tilespmem:v13+s3+$0x0], $0xffff;
	v13 =	vor.u32 s15, v7  }
0x6a: {  	v14 =	vor.u32 $0x8, v62;
	v15 =	vld.idx.msk [tilespmem:v16+s3+$0x0], $0xffff;
	v16 =	vor.u32 s14, v7  }
0x6b: {  	v17 =	vor.u32 $0x8, v61  }
0x6c: {  	s22 =	sor.u32 $0x8, s13  }
0x6d: {  	s23 =	sor.u32 $0x8, s16;
	v18 =	vor.u32 s22, v0;
	v8 =	vld.idx.msk [tilespmem:v8+s3+$0x0], $0xffff;
	[tilespmem:v10+s10+$0x0] =	vst.idx.msk $0xffff, v9  }
0x6e: {  	s24 =	sor.u32 $0x8, s15;
	v9 =	vor.u32 $0x9, v60;
	[tilespmem:v13+s10+$0x0] =	vst.idx.msk $0xffff, v12;
	v10 =	vld.idx.msk [tilespmem:v11+s3+$0x0], $0xffff;
	v11 =	vor.u32 s23, v0  }
0x6f: {  	s19 =	sor.u32 $0x8, s14;
	v12 =	vor.u32 $0x9, v63;
	[tilespmem:v16+s10+$0x0] =	vst.idx.msk $0xffff, v15;
	v13 =	vld.idx.msk [tilespmem:v14+s3+$0x0], $0xffff;
	v14 =	vor.u32 s24, v0  }
0x70: {  	v15 =	vor.u32 $0x9, v62;
	v16 =	vld.idx.msk [tilespmem:v17+s3+$0x0], $0xffff;
	v17 =	vor.u32 s19, v0  }
0x71: {  	v19 =	vor.u32 $0x9, v61  }
0x72: {  	s20 =	sor.u32 $0x9, s13;
	[tilespmem:v18+s10+$0x0] =	vst.idx.msk $0xffff, v8  }
0x73: {  	v8 =	vld.idx.msk [tilespmem:v9+s3+$0x0], $0xffff;
	v9 =	vor.u32 s20, v0;
	[tilespmem:v11+s10+$0x0] =	vst.idx.msk $0xffff, v10  }
0x74: {  	v10 =	vor.u32 $0xA, v60;
	[tilespmem:v14+s10+$0x0] =	vst.idx.msk $0xffff, v13;
	v11 =	vld.idx.msk [tilespmem:v12+s3+$0x0], $0xffff;
	v12 =	vor.u32 s23, v1  }
0x75: {  	v13 =	vor.u32 $0xA, v63;
	[tilespmem:v17+s10+$0x0] =	vst.idx.msk $0xffff, v16;
	v14 =	vld.idx.msk [tilespmem:v15+s3+$0x0], $0xffff;
	v15 =	vor.u32 s24, v1  }
0x76: {  	v18 =	vor.u32 s19, v1;
	v16 =	vor.u32 $0xA, v62;
	v17 =	vld.idx.msk [tilespmem:v19+s3+$0x0], $0xffff  }
0x77: {  	v19 =	vor.u32 $0xA, v61  }
0x78: {  	s25 =	sor.u32 $0xA, s13;
	[tilespmem:v9+s10+$0x0] =	vst.idx.msk $0xffff, v8  }
0x79: {  	v9 =	vor.u32 s25, v0;
	v8 =	vld.idx.msk [tilespmem:v10+s3+$0x0], $0xffff;
	[tilespmem:v12+s10+$0x0] =	vst.idx.msk $0xffff, v11  }
0x7a: {  	v10 =	vor.u32 $0xB, v60;
	v12 =	vor.u32 s23, v2;
	[tilespmem:v15+s10+$0x0] =	vst.idx.msk $0xffff, v14;
	v11 =	vld.idx.msk [tilespmem:v13+s3+$0x0], $0xffff  }
0x7b: {  	v15 =	vor.u32 s24, v2;
	[tilespmem:v18+s10+$0x0] =	vst.idx.msk $0xffff, v17;
	v13 =	vor.u32 $0xB, v63;
	v14 =	vld.idx.msk [tilespmem:v16+s3+$0x0], $0xffff  }
0x7c: {  	v18 =	vor.u32 s19, v2;
	v16 =	vor.u32 $0xB, v62;
	v17 =	vld.idx.msk [tilespmem:v19+s3+$0x0], $0xffff  }
0x7d: {  	v19 =	vor.u32 $0xB, v61  }
0x7e: {  	s26 =	sor.u32 $0xB, s13;
	[tilespmem:v9+s10+$0x0] =	vst.idx.msk $0xffff, v8  }
0x7f: {  	v9 =	vor.u32 s26, v0;
	v8 =	vld.idx.msk [tilespmem:v10+s3+$0x0], $0xffff;
	[tilespmem:v12+s10+$0x0] =	vst.idx.msk $0xffff, v11  }
0x80: {  	v10 =	vor.u32 $0xC, v60;
	v12 =	vor.u32 s23, v3;
	[tilespmem:v15+s10+$0x0] =	vst.idx.msk $0xffff, v14;
	v11 =	vld.idx.msk [tilespmem:v13+s3+$0x0], $0xffff  }
0x81: {  	v15 =	vor.u32 s24, v3;
	[tilespmem:v18+s10+$0x0] =	vst.idx.msk $0xffff, v17;
	v13 =	vor.u32 $0xC, v63;
	v14 =	vld.idx.msk [tilespmem:v16+s3+$0x0], $0xffff  }
0x82: {  	v18 =	vor.u32 s19, v3;
	v16 =	vor.u32 $0xC, v62;
	v17 =	vld.idx.msk [tilespmem:v19+s3+$0x0], $0xffff  }
0x83: {  	v19 =	vor.u32 $0xC, v61  }
0x84: {  	s28 =	sor.u32 $0xC, s13;
	[tilespmem:v9+s10+$0x0] =	vst.idx.msk $0xffff, v8  }
0x85: {  	v9 =	vor.u32 s28, v0;
	v8 =	vld.idx.msk [tilespmem:v10+s3+$0x0], $0xffff;
	[tilespmem:v12+s10+$0x0] =	vst.idx.msk $0xffff, v11  }
0x86: {  	v10 =	vor.u32 $0xD, v60;
	v12 =	vor.u32 s23, v4;
	[tilespmem:v15+s10+$0x0] =	vst.idx.msk $0xffff, v14;
	v11 =	vld.idx.msk [tilespmem:v13+s3+$0x0], $0xffff  }
0x87: {  	v15 =	vor.u32 s24, v4;
	[tilespmem:v18+s10+$0x0] =	vst.idx.msk $0xffff, v17;
	v13 =	vor.u32 $0xD, v63;
	v14 =	vld.idx.msk [tilespmem:v16+s3+$0x0], $0xffff  }
0x88: {  	v18 =	vor.u32 s19, v4;
	v16 =	vor.u32 $0xD, v62;
	v17 =	vld.idx.msk [tilespmem:v19+s3+$0x0], $0xffff  }
0x89: {  	v19 =	vor.u32 $0xD, v61  }
0x8a: {  	s29 =	sor.u32 $0xD, s13;
	[tilespmem:v9+s10+$0x0] =	vst.idx.msk $0xffff, v8  }
0x8b: {  	v9 =	vor.u32 s29, v0;
	v8 =	vld.idx.msk [tilespmem:v10+s3+$0x0], $0xffff;
	[tilespmem:v12+s10+$0x0] =	vst.idx.msk $0xffff, v11  }
0x8c: {  	v10 =	vor.u32 $0xE, v60;
	v12 =	vor.u32 s23, v5;
	[tilespmem:v15+s10+$0x0] =	vst.idx.msk $0xffff, v14;
	v11 =	vld.idx.msk [tilespmem:v13+s3+$0x0], $0xffff  }
0x8d: {  	v15 =	vor.u32 s24, v5;
	[tilespmem:v18+s10+$0x0] =	vst.idx.msk $0xffff, v17;
	v13 =	vor.u32 $0xE, v63;
	v14 =	vld.idx.msk [tilespmem:v16+s3+$0x0], $0xffff  }
0x8e: {  	v18 =	vor.u32 s19, v5;
	v16 =	vor.u32 $0xE, v62;
	v17 =	vld.idx.msk [tilespmem:v19+s3+$0x0], $0xffff  }
0x8f: {  	v19 =	vor.u32 $0xE, v61  }
0x90: {  	s30 =	sor.u32 $0xE, s13;
	[tilespmem:v9+s10+$0x0] =	vst.idx.msk $0xffff, v8  }
0x91: {  	v9 =	vor.u32 s30, v0;
	v8 =	vld.idx.msk [tilespmem:v10+s3+$0x0], $0xffff;
	[tilespmem:v12+s10+$0x0] =	vst.idx.msk $0xffff, v11  }
0x92: {  	v10 =	vor.u32 $0xF, v60;
	v12 =	vor.u32 s23, v6;
	[tilespmem:v15+s10+$0x0] =	vst.idx.msk $0xffff, v14;
	v11 =	vld.idx.msk [tilespmem:v13+s3+$0x0], $0xffff  }
0x93: {  	v15 =	vor.u32 s24, v6;
	[tilespmem:v18+s10+$0x0] =	vst.idx.msk $0xffff, v17;
	v13 =	vor.u32 $0xF, v63;
	v14 =	vld.idx.msk [tilespmem:v16+s3+$0x0], $0xffff  }
0x94: {  	v18 =	vor.u32 s19, v6;
	v16 =	vor.u32 $0xF, v62;
	v17 =	vld.idx.msk [tilespmem:v19+s3+$0x0], $0xffff  }
0x95: {  	v19 =	vor.u32 $0xF, v61  }
0x96: {  	s31 =	sor.u32 $0xF, s13;
	[tilespmem:v9+s10+$0x0] =	vst.idx.msk $0xffff, v8  }
0x97: {  	v9 =	vor.u32 s31, v0;
	v8 =	vld.idx.msk [tilespmem:v10+s3+$0x0], $0xffff;
	[tilespmem:v12+s10+$0x0] =	vst.idx.msk $0xffff, v11  }
0x98: {  	v10 =	vor.u32 $0x10, v60;
	v12 =	vor.u32 s23, v7;
	[tilespmem:v15+s10+$0x0] =	vst.idx.msk $0xffff, v14;
	v11 =	vld.idx.msk [tilespmem:v13+s3+$0x0], $0xffff  }
0x99: {  	v15 =	vor.u32 s24, v7;
	[tilespmem:v18+s10+$0x0] =	vst.idx.msk $0xffff, v17;
	v13 =	vor.u32 $0x10, v63;
	v14 =	vld.idx.msk [tilespmem:v16+s3+$0x0], $0xffff  }
0x9a: {  	v18 =	vor.u32 s19, v7;
	v16 =	vor.u32 $0x10, v62;
	v17 =	vld.idx.msk [tilespmem:v19+s3+$0x0], $0xffff  }
0x9b: {  	v19 =	vor.u32 $0x10, v61  }
0x9c: {  	s20 =	sor.u32 $0x10, s13;
	[tilespmem:v9+s10+$0x0] =	vst.idx.msk $0xffff, v8  }
0x9d: {  	s21 =	sor.u32 $0x10, s16;
	v9 =	vor.u32 s20, v0;
	v8 =	vld.idx.msk [tilespmem:v10+s3+$0x0], $0xffff;
	[tilespmem:v12+s10+$0x0] =	vst.idx.msk $0xffff, v11  }
0x9e: {  	s22 =	sor.u32 $0x10, s15;
	v10 =	vor.u32 $0x11, v60;
	v12 =	vor.u32 s21, v0;
	[tilespmem:v15+s10+$0x0] =	vst.idx.msk $0xffff, v14;
	v11 =	vld.idx.msk [tilespmem:v13+s3+$0x0], $0xffff  }
0x9f: {  	s23 =	sor.u32 $0x10, s14;
	v15 =	vor.u32 s22, v0;
	[tilespmem:v18+s10+$0x0] =	vst.idx.msk $0xffff, v17;
	v13 =	vor.u32 $0x11, v63;
	v14 =	vld.idx.msk [tilespmem:v16+s3+$0x0], $0xffff  }
0xa0: {  	v18 =	vor.u32 s23, v0;
	v16 =	vor.u32 $0x11, v62;
	v17 =	vld.idx.msk [tilespmem:v19+s3+$0x0], $0xffff  }
0xa1: {  	v19 =	vor.u32 $0x11, v61  }
0xa2: {  	s24 =	sor.u32 $0x11, s13;
	[tilespmem:v9+s10+$0x0] =	vst.idx.msk $0xffff, v8  }
0xa3: {  	v9 =	vor.u32 s24, v0;
	v8 =	vld.idx.msk [tilespmem:v10+s3+$0x0], $0xffff;
	[tilespmem:v12+s10+$0x0] =	vst.idx.msk $0xffff, v11  }
0xa4: {  	v10 =	vor.u32 $0x12, v60;
	v12 =	vor.u32 s21, v1;
	[tilespmem:v15+s10+$0x0] =	vst.idx.msk $0xffff, v14;
	v11 =	vld.idx.msk [tilespmem:v13+s3+$0x0], $0xffff  }
0xa5: {  	v15 =	vor.u32 s22, v1;
	[tilespmem:v18+s10+$0x0] =	vst.idx.msk $0xffff, v17;
	v13 =	vor.u32 $0x12, v63;
	v14 =	vld.idx.msk [tilespmem:v16+s3+$0x0], $0xffff  }
0xa6: {  	v18 =	vor.u32 s23, v1;
	v16 =	vor.u32 $0x12, v62;
	v17 =	vld.idx.msk [tilespmem:v19+s3+$0x0], $0xffff  }
0xa7: {  	v19 =	vor.u32 $0x12, v61  }
0xa8: {  	s25 =	sor.u32 $0x12, s13;
	[tilespmem:v9+s10+$0x0] =	vst.idx.msk $0xffff, v8  }
0xa9: {  	v9 =	vor.u32 s25, v0;
	v8 =	vld.idx.msk [tilespmem:v10+s3+$0x0], $0xffff;
	[tilespmem:v12+s10+$0x0] =	vst.idx.msk $0xffff, v11  }
0xaa: {  	v10 =	vor.u32 $0x13, v60;
	v12 =	vor.u32 s21, v2;
	[tilespmem:v15+s10+$0x0] =	vst.idx.msk $0xffff, v14;
	v11 =	vld.idx.msk [tilespmem:v13+s3+$0x0], $0xffff  }
0xab: {  	v15 =	vor.u32 s22, v2;
	[tilespmem:v18+s10+$0x0] =	vst.idx.msk $0xffff, v17;
	v13 =	vor.u32 $0x13, v63;
	v14 =	vld.idx.msk [tilespmem:v16+s3+$0x0], $0xffff  }
0xac: {  	v18 =	vor.u32 s23, v2;
	v16 =	vor.u32 $0x13, v62;
	v17 =	vld.idx.msk [tilespmem:v19+s3+$0x0], $0xffff  }
0xad: {  	v19 =	vor.u32 $0x13, v61  }
0xae: {  	s26 =	sor.u32 $0x13, s13;
	[tilespmem:v9+s10+$0x0] =	vst.idx.msk $0xffff, v8  }
0xaf: {  	v9 =	vor.u32 s26, v0;
	v8 =	vld.idx.msk [tilespmem:v10+s3+$0x0], $0xffff;
	[tilespmem:v12+s10+$0x0] =	vst.idx.msk $0xffff, v11  }
0xb0: {  	v10 =	vor.u32 $0x14, v60;
	v12 =	vor.u32 s21, v3;
	[tilespmem:v15+s10+$0x0] =	vst.idx.msk $0xffff, v14;
	v11 =	vld.idx.msk [tilespmem:v13+s3+$0x0], $0xffff  }
0xb1: {  	v15 =	vor.u32 s22, v3;
	[tilespmem:v18+s10+$0x0] =	vst.idx.msk $0xffff, v17;
	v13 =	vor.u32 $0x14, v63;
	v14 =	vld.idx.msk [tilespmem:v16+s3+$0x0], $0xffff  }
0xb2: {  	v18 =	vor.u32 s23, v3;
	v16 =	vor.u32 $0x14, v62;
	v17 =	vld.idx.msk [tilespmem:v19+s3+$0x0], $0xffff  }
0xb3: {  	v19 =	vor.u32 $0x14, v61  }
0xb4: {  	s28 =	sor.u32 $0x14, s13;
	[tilespmem:v9+s10+$0x0] =	vst.idx.msk $0xffff, v8  }
0xb5: {  	v9 =	vor.u32 s28, v0;
	v8 =	vld.idx.msk [tilespmem:v10+s3+$0x0], $0xffff;
	[tilespmem:v12+s10+$0x0] =	vst.idx.msk $0xffff, v11  }
0xb6: {  	v10 =	vor.u32 $0x15, v60;
	v12 =	vor.u32 s21, v4;
	[tilespmem:v15+s10+$0x0] =	vst.idx.msk $0xffff, v14;
	v11 =	vld.idx.msk [tilespmem:v13+s3+$0x0], $0xffff  }
0xb7: {  	v15 =	vor.u32 s22, v4;
	[tilespmem:v18+s10+$0x0] =	vst.idx.msk $0xffff, v17;
	v13 =	vor.u32 $0x15, v63;
	v14 =	vld.idx.msk [tilespmem:v16+s3+$0x0], $0xffff  }
0xb8: {  	v18 =	vor.u32 s23, v4;
	v16 =	vor.u32 $0x15, v62;
	v17 =	vld.idx.msk [tilespmem:v19+s3+$0x0], $0xffff  }
0xb9: {  	v19 =	vor.u32 $0x15, v61  }
0xba: {  	s29 =	sor.u32 $0x15, s13;
	[tilespmem:v9+s10+$0x0] =	vst.idx.msk $0xffff, v8  }
0xbb: {  	v9 =	vor.u32 s29, v0;
	v8 =	vld.idx.msk [tilespmem:v10+s3+$0x0], $0xffff;
	[tilespmem:v12+s10+$0x0] =	vst.idx.msk $0xffff, v11  }
0xbc: {  	v10 =	vor.u32 $0x16, v60;
	v12 =	vor.u32 s21, v5;
	[tilespmem:v15+s10+$0x0] =	vst.idx.msk $0xffff, v14;
	v11 =	vld.idx.msk [tilespmem:v13+s3+$0x0], $0xffff  }
0xbd: {  	v15 =	vor.u32 s22, v5;
	[tilespmem:v18+s10+$0x0] =	vst.idx.msk $0xffff, v17;
	v13 =	vor.u32 $0x16, v63;
	v14 =	vld.idx.msk [tilespmem:v16+s3+$0x0], $0xffff  }
0xbe: {  	v18 =	vor.u32 s23, v5;
	v16 =	vor.u32 $0x16, v62;
	v17 =	vld.idx.msk [tilespmem:v19+s3+$0x0], $0xffff  }
0xbf: {  	v19 =	vor.u32 $0x16, v61  }
0xc0: {  	s30 =	sor.u32 $0x16, s13;
	[tilespmem:v9+s10+$0x0] =	vst.idx.msk $0xffff, v8  }
0xc1: {  	v9 =	vor.u32 s30, v0;
	v8 =	vld.idx.msk [tilespmem:v10+s3+$0x0], $0xffff;
	[tilespmem:v12+s10+$0x0] =	vst.idx.msk $0xffff, v11  }
0xc2: {  	v10 =	vor.u32 $0x17, v60;
	v12 =	vor.u32 s21, v6;
	[tilespmem:v15+s10+$0x0] =	vst.idx.msk $0xffff, v14;
	v11 =	vld.idx.msk [tilespmem:v13+s3+$0x0], $0xffff  }
0xc3: {  	v15 =	vor.u32 s22, v6;
	[tilespmem:v18+s10+$0x0] =	vst.idx.msk $0xffff, v17;
	v13 =	vor.u32 $0x17, v63;
	v14 =	vld.idx.msk [tilespmem:v16+s3+$0x0], $0xffff  }
0xc4: {  	v18 =	vor.u32 s23, v6;
	v16 =	vor.u32 $0x17, v62;
	v17 =	vld.idx.msk [tilespmem:v19+s3+$0x0], $0xffff  }
0xc5: {  	v19 =	vor.u32 $0x17, v61  }
0xc6: {  	s31 =	sor.u32 $0x17, s13;
	[tilespmem:v9+s10+$0x0] =	vst.idx.msk $0xffff, v8  }
0xc7: {  	v9 =	vor.u32 s31, v0;
	v8 =	vld.idx.msk [tilespmem:v10+s3+$0x0], $0xffff;
	[tilespmem:v12+s10+$0x0] =	vst.idx.msk $0xffff, v11  }
0xc8: {  	v10 =	vor.u32 $0x18, v60;
	v12 =	vor.u32 s21, v7;
	[tilespmem:v15+s10+$0x0] =	vst.idx.msk $0xffff, v14;
	v11 =	vld.idx.msk [tilespmem:v13+s3+$0x0], $0xffff  }
0xc9: {  	v15 =	vor.u32 s22, v7;
	[tilespmem:v18+s10+$0x0] =	vst.idx.msk $0xffff, v17;
	v13 =	vor.u32 $0x18, v63;
	v14 =	vld.idx.msk [tilespmem:v16+s3+$0x0], $0xffff  }
0xca: {  	v18 =	vor.u32 s23, v7;
	v16 =	vor.u32 $0x18, v62;
	v17 =	vld.idx.msk [tilespmem:v19+s3+$0x0], $0xffff  }
0xcb: {  	v19 =	vor.u32 $0x18, v61  }
0xcc: {  	s20 =	sor.u32 $0x18, s13;
	[tilespmem:v9+s10+$0x0] =	vst.idx.msk $0xffff, v8  }
0xcd: {  	s21 =	sor.u32 $0x18, s16;
	v9 =	vor.u32 s20, v0;
	v8 =	vld.idx.msk [tilespmem:v10+s3+$0x0], $0xffff;
	[tilespmem:v12+s10+$0x0] =	vst.idx.msk $0xffff, v11  }
0xce: {  	s22 =	sor.u32 $0x18, s15;
	v10 =	vor.u32 $0x19, v60;
	v12 =	vor.u32 s21, v0;
	[tilespmem:v15+s10+$0x0] =	vst.idx.msk $0xffff, v14;
	v11 =	vld.idx.msk [tilespmem:v13+s3+$0x0], $0xffff  }
0xcf: {  	s23 =	sor.u32 $0x18, s14;
	v15 =	vor.u32 s22, v0;
	[tilespmem:v18+s10+$0x0] =	vst.idx.msk $0xffff, v17;
	v13 =	vor.u32 $0x19, v63;
	v14 =	vld.idx.msk [tilespmem:v16+s3+$0x0], $0xffff  }
0xd0: {  	v18 =	vor.u32 s23, v0;
	v16 =	vor.u32 $0x19, v62;
	v17 =	vld.idx.msk [tilespmem:v19+s3+$0x0], $0xffff  }
0xd1: {  	v19 =	vor.u32 $0x19, v61  }
0xd2: {  	s24 =	sor.u32 $0x19, s13;
	[tilespmem:v9+s10+$0x0] =	vst.idx.msk $0xffff, v8  }
0xd3: {  	v9 =	vor.u32 s24, v0;
	v8 =	vld.idx.msk [tilespmem:v10+s3+$0x0], $0xffff;
	[tilespmem:v12+s10+$0x0] =	vst.idx.msk $0xffff, v11  }
0xd4: {  	v10 =	vor.u32 $0x1A, v60;
	v12 =	vor.u32 s21, v1;
	[tilespmem:v15+s10+$0x0] =	vst.idx.msk $0xffff, v14;
	v11 =	vld.idx.msk [tilespmem:v13+s3+$0x0], $0xffff  }
0xd5: {  	v15 =	vor.u32 s22, v1;
	[tilespmem:v18+s10+$0x0] =	vst.idx.msk $0xffff, v17;
	v13 =	vor.u32 $0x1A, v63;
	v14 =	vld.idx.msk [tilespmem:v16+s3+$0x0], $0xffff  }
0xd6: {  	v18 =	vor.u32 s23, v1;
	v16 =	vor.u32 $0x1A, v62;
	v17 =	vld.idx.msk [tilespmem:v19+s3+$0x0], $0xffff  }
0xd7: {  	v19 =	vor.u32 $0x1A, v61  }
0xd8: {  	s25 =	sor.u32 $0x1A, s13;
	[tilespmem:v9+s10+$0x0] =	vst.idx.msk $0xffff, v8  }
0xd9: {  	v9 =	vor.u32 s25, v0;
	v8 =	vld.idx.msk [tilespmem:v10+s3+$0x0], $0xffff;
	[tilespmem:v12+s10+$0x0] =	vst.idx.msk $0xffff, v11  }
0xda: {  	v10 =	vor.u32 $0x1B, v60;
	v12 =	vor.u32 s21, v2;
	[tilespmem:v15+s10+$0x0] =	vst.idx.msk $0xffff, v14;
	v11 =	vld.idx.msk [tilespmem:v13+s3+$0x0], $0xffff  }
0xdb: {  	v15 =	vor.u32 s22, v2;
	[tilespmem:v18+s10+$0x0] =	vst.idx.msk $0xffff, v17;
	v13 =	vor.u32 $0x1B, v63;
	v14 =	vld.idx.msk [tilespmem:v16+s3+$0x0], $0xffff  }
0xdc: {  	v18 =	vor.u32 s23, v2;
	v16 =	vor.u32 $0x1B, v62;
	v17 =	vld.idx.msk [tilespmem:v19+s3+$0x0], $0xffff  }
0xdd: {  	v19 =	vor.u32 $0x1B, v61  }
0xde: {  	s26 =	sor.u32 $0x1B, s13;
	[tilespmem:v9+s10+$0x0] =	vst.idx.msk $0xffff, v8  }
0xdf: {  	v9 =	vor.u32 s26, v0;
	v8 =	vld.idx.msk [tilespmem:v10+s3+$0x0], $0xffff;
	[tilespmem:v12+s10+$0x0] =	vst.idx.msk $0xffff, v11  }
0xe0: {  	v10 =	vor.u32 $0x1C, v60;
	v12 =	vor.u32 s21, v3;
	[tilespmem:v15+s10+$0x0] =	vst.idx.msk $0xffff, v14;
	v11 =	vld.idx.msk [tilespmem:v13+s3+$0x0], $0xffff  }
0xe1: {  	v15 =	vor.u32 s22, v3;
	[tilespmem:v18+s10+$0x0] =	vst.idx.msk $0xffff, v17;
	v13 =	vor.u32 $0x1C, v63;
	v14 =	vld.idx.msk [tilespmem:v16+s3+$0x0], $0xffff  }
0xe2: {  	v18 =	vor.u32 s23, v3;
	v16 =	vor.u32 $0x1C, v62;
	v17 =	vld.idx.msk [tilespmem:v19+s3+$0x0], $0xffff  }
0xe3: {  	v19 =	vor.u32 $0x1C, v61  }
0xe4: {  	s28 =	sor.u32 $0x1C, s13;
	[tilespmem:v9+s10+$0x0] =	vst.idx.msk $0xffff, v8  }
0xe5: {  	v9 =	vor.u32 s28, v0;
	v8 =	vld.idx.msk [tilespmem:v10+s3+$0x0], $0xffff;
	[tilespmem:v12+s10+$0x0] =	vst.idx.msk $0xffff, v11  }
0xe6: {  	v10 =	vor.u32 $0x1D, v60;
	v12 =	vor.u32 s21, v4;
	[tilespmem:v15+s10+$0x0] =	vst.idx.msk $0xffff, v14;
	v11 =	vld.idx.msk [tilespmem:v13+s3+$0x0], $0xffff  }
0xe7: {  	v15 =	vor.u32 s22, v4;
	[tilespmem:v18+s10+$0x0] =	vst.idx.msk $0xffff, v17;
	v13 =	vor.u32 $0x1D, v63;
	v14 =	vld.idx.msk [tilespmem:v16+s3+$0x0], $0xffff  }
0xe8: {  	v18 =	vor.u32 s23, v4;
	v16 =	vor.u32 $0x1D, v62;
	v17 =	vld.idx.msk [tilespmem:v19+s3+$0x0], $0xffff  }
0xe9: {  	v19 =	vor.u32 $0x1D, v61  }
0xea: {  	s29 =	sor.u32 $0x1D, s13;
	[tilespmem:v9+s10+$0x0] =	vst.idx.msk $0xffff, v8  }
0xeb: {  	v9 =	vor.u32 s29, v0;
	v8 =	vld.idx.msk [tilespmem:v10+s3+$0x0], $0xffff;
	[tilespmem:v12+s10+$0x0] =	vst.idx.msk $0xffff, v11  }
0xec: {  	v10 =	vor.u32 $0x1E, v60;
	v12 =	vor.u32 s21, v5;
	[tilespmem:v15+s10+$0x0] =	vst.idx.msk $0xffff, v14;
	v11 =	vld.idx.msk [tilespmem:v13+s3+$0x0], $0xffff  }
0xed: {  	v15 =	vor.u32 s22, v5;
	[tilespmem:v18+s10+$0x0] =	vst.idx.msk $0xffff, v17;
	v13 =	vor.u32 $0x1E, v63;
	v14 =	vld.idx.msk [tilespmem:v16+s3+$0x0], $0xffff  }
0xee: {  	v18 =	vor.u32 s23, v5;
	v16 =	vor.u32 $0x1E, v62;
	v17 =	vld.idx.msk [tilespmem:v19+s3+$0x0], $0xffff  }
0xef: {  	v19 =	vor.u32 $0x1E, v61  }
0xf0: {  	s30 =	sor.u32 $0x1E, s13;
	[tilespmem:v9+s10+$0x0] =	vst.idx.msk $0xffff, v8  }
0xf1: {  	v9 =	vor.u32 s30, v0;
	v8 =	vld.idx.msk [tilespmem:v10+s3+$0x0], $0xffff;
	[tilespmem:v12+s10+$0x0] =	vst.idx.msk $0xffff, v11  }
0xf2: {  	v10 =	vor.u32 $0x1F, v60;
	v12 =	vor.u32 s21, v6;
	[tilespmem:v15+s10+$0x0] =	vst.idx.msk $0xffff, v14;
	v11 =	vld.idx.msk [tilespmem:v13+s3+$0x0], $0xffff  }
0xf3: {  	v15 =	vor.u32 s22, v6;
	[tilespmem:v18+s10+$0x0] =	vst.idx.msk $0xffff, v17;
	v13 =	vor.u32 $0x1F, v63;
	v14 =	vld.idx.msk [tilespmem:v16+s3+$0x0], $0xffff  }
0xf4: {  	v18 =	vor.u32 s23, v6;
	v16 =	vor.u32 $0x1F, v62;
	v17 =	vld.idx.msk [tilespmem:v19+s3+$0x0], $0xffff  }
0xf5: {  	v19 =	vor.u32 $0x1F, v61  }
0xf6: {  	s31 =	sor.u32 $0x1F, s13;
	[tilespmem:v9+s10+$0x0] =	vst.idx.msk $0xffff, v8  }
0xf7: {  	v9 =	vor.u32 s31, v0;
	v8 =	vld.idx.msk [tilespmem:v10+s3+$0x0], $0xffff;
	[tilespmem:v12+s10+$0x0] =	vst.idx.msk $0xffff, v11  }
0xf8: {  	v10 =	vor.u32 $0x20, v60;
	v12 =	vor.u32 s21, v7;
	[tilespmem:v15+s10+$0x0] =	vst.idx.msk $0xffff, v14;
	v11 =	vld.idx.msk [tilespmem:v13+s3+$0x0], $0xffff  }
0xf9: {  	v15 =	vor.u32 s22, v7;
	[tilespmem:v18+s10+$0x0] =	vst.idx.msk $0xffff, v17;
	v13 =	vor.u32 $0x20, v63;
	v14 =	vld.idx.msk [tilespmem:v16+s3+$0x0], $0xffff  }
0xfa: {  	v18 =	vor.u32 s23, v7;
	v16 =	vor.u32 $0x20, v62;
	v17 =	vld.idx.msk [tilespmem:v19+s3+$0x0], $0xffff  }
0xfb: {  	v19 =	vor.u32 $0x20, v61  }
0xfc: {  	s20 =	sor.u32 $0x20, s13;
	[tilespmem:v9+s10+$0x0] =	vst.idx.msk $0xffff, v8  }
0xfd: {  	s21 =	sor.u32 $0x20, s16;
	v9 =	vor.u32 s20, v0;
	v8 =	vld.idx.msk [tilespmem:v10+s3+$0x0], $0xffff;
	[tilespmem:v12+s10+$0x0] =	vst.idx.msk $0xffff, v11  }
0xfe: {  	s22 =	sor.u32 $0x20, s15;
	v10 =	vor.u32 $0x21, v60;
	v12 =	vor.u32 s21, v0;
	[tilespmem:v15+s10+$0x0] =	vst.idx.msk $0xffff, v14;
	v11 =	vld.idx.msk [tilespmem:v13+s3+$0x0], $0xffff  }
0xff: {  	s23 =	sor.u32 $0x20, s14;
	v15 =	vor.u32 s22, v0;
	[tilespmem:v18+s10+$0x0] =	vst.idx.msk $0xffff, v17;
	v13 =	vor.u32 $0x21, v63;
	v14 =	vld.idx.msk [tilespmem:v16+s3+$0x0], $0xffff  }
0x100: {  	v18 =	vor.u32 s23, v0;
	v16 =	vor.u32 $0x21, v62;
	v17 =	vld.idx.msk [tilespmem:v19+s3+$0x0], $0xffff  }
0x101: {  	v19 =	vor.u32 $0x21, v61  }
0x102: {  	s24 =	sor.u32 $0x21, s13;
	[tilespmem:v9+s10+$0x0] =	vst.idx.msk $0xffff, v8  }
0x103: {  	v9 =	vor.u32 s24, v0;
	v8 =	vld.idx.msk [tilespmem:v10+s3+$0x0], $0xffff;
	[tilespmem:v12+s10+$0x0] =	vst.idx.msk $0xffff, v11  }
0x104: {  	v10 =	vor.u32 $0x22, v60;
	v12 =	vor.u32 s21, v1;
	[tilespmem:v15+s10+$0x0] =	vst.idx.msk $0xffff, v14;
	v11 =	vld.idx.msk [tilespmem:v13+s3+$0x0], $0xffff  }
0x105: {  	v15 =	vor.u32 s22, v1;
	[tilespmem:v18+s10+$0x0] =	vst.idx.msk $0xffff, v17;
	v13 =	vor.u32 $0x22, v63;
	v14 =	vld.idx.msk [tilespmem:v16+s3+$0x0], $0xffff  }
0x106: {  	v18 =	vor.u32 s23, v1;
	v16 =	vor.u32 $0x22, v62;
	v17 =	vld.idx.msk [tilespmem:v19+s3+$0x0], $0xffff  }
0x107: {  	v19 =	vor.u32 $0x22, v61  }
0x108: {  	s25 =	sor.u32 $0x22, s13;
	[tilespmem:v9+s10+$0x0] =	vst.idx.msk $0xffff, v8  }
0x109: {  	v9 =	vor.u32 s25, v0;
	v8 =	vld.idx.msk [tilespmem:v10+s3+$0x0], $0xffff;
	[tilespmem:v12+s10+$0x0] =	vst.idx.msk $0xffff, v11  }
0x10a: {  	v10 =	vor.u32 $0x23, v60;
	v12 =	vor.u32 s21, v2;
	[tilespmem:v15+s10+$0x0] =	vst.idx.msk $0xffff, v14;
	v11 =	vld.idx.msk [tilespmem:v13+s3+$0x0], $0xffff  }
0x10b: {  	v15 =	vor.u32 s22, v2;
	[tilespmem:v18+s10+$0x0] =	vst.idx.msk $0xffff, v17;
	v13 =	vor.u32 $0x23, v63;
	v14 =	vld.idx.msk [tilespmem:v16+s3+$0x0], $0xffff  }
0x10c: {  	v18 =	vor.u32 s23, v2;
	v16 =	vor.u32 $0x23, v62;
	v17 =	vld.idx.msk [tilespmem:v19+s3+$0x0], $0xffff  }
0x10d: {  	v19 =	vor.u32 $0x23, v61  }
0x10e: {  	s26 =	sor.u32 $0x23, s13;
	[tilespmem:v9+s10+$0x0] =	vst.idx.msk $0xffff, v8  }
0x10f: {  	v9 =	vor.u32 s26, v0;
	v8 =	vld.idx.msk [tilespmem:v10+s3+$0x0], $0xffff;
	[tilespmem:v12+s10+$0x0] =	vst.idx.msk $0xffff, v11  }
0x110: {  	v10 =	vor.u32 $0x24, v60;
	v12 =	vor.u32 s21, v3;
	[tilespmem:v15+s10+$0x0] =	vst.idx.msk $0xffff, v14;
	v11 =	vld.idx.msk [tilespmem:v13+s3+$0x0], $0xffff  }
0x111: {  	v15 =	vor.u32 s22, v3;
	[tilespmem:v18+s10+$0x0] =	vst.idx.msk $0xffff, v17;
	v13 =	vor.u32 $0x24, v63;
	v14 =	vld.idx.msk [tilespmem:v16+s3+$0x0], $0xffff  }
0x112: {  	v18 =	vor.u32 s23, v3;
	v16 =	vor.u32 $0x24, v62;
	v17 =	vld.idx.msk [tilespmem:v19+s3+$0x0], $0xffff  }
0x113: {  	v19 =	vor.u32 $0x24, v61  }
0x114: {  	s28 =	sor.u32 $0x24, s13;
	[tilespmem:v9+s10+$0x0] =	vst.idx.msk $0xffff, v8  }
0x115: {  	v9 =	vor.u32 s28, v0;
	v8 =	vld.idx.msk [tilespmem:v10+s3+$0x0], $0xffff;
	[tilespmem:v12+s10+$0x0] =	vst.idx.msk $0xffff, v11  }
0x116: {  	v10 =	vor.u32 $0x25, v60;
	v12 =	vor.u32 s21, v4;
	[tilespmem:v15+s10+$0x0] =	vst.idx.msk $0xffff, v14;
	v11 =	vld.idx.msk [tilespmem:v13+s3+$0x0], $0xffff  }
0x117: {  	v15 =	vor.u32 s22, v4;
	[tilespmem:v18+s10+$0x0] =	vst.idx.msk $0xffff, v17;
	v13 =	vor.u32 $0x25, v63;
	v14 =	vld.idx.msk [tilespmem:v16+s3+$0x0], $0xffff  }
0x118: {  	v18 =	vor.u32 s23, v4;
	v16 =	vor.u32 $0x25, v62;
	v17 =	vld.idx.msk [tilespmem:v19+s3+$0x0], $0xffff  }
0x119: {  	v19 =	vor.u32 $0x25, v61  }
0x11a: {  	s29 =	sor.u32 $0x25, s13;
	[tilespmem:v9+s10+$0x0] =	vst.idx.msk $0xffff, v8  }
0x11b: {  	v9 =	vor.u32 s29, v0;
	v8 =	vld.idx.msk [tilespmem:v10+s3+$0x0], $0xffff;
	[tilespmem:v12+s10+$0x0] =	vst.idx.msk $0xffff, v11  }
0x11c: {  	v10 =	vor.u32 $0x26, v60;
	v12 =	vor.u32 s21, v5;
	[tilespmem:v15+s10+$0x0] =	vst.idx.msk $0xffff, v14;
	v11 =	vld.idx.msk [tilespmem:v13+s3+$0x0], $0xffff  }
0x11d: {  	v15 =	vor.u32 s22, v5;
	[tilespmem:v18+s10+$0x0] =	vst.idx.msk $0xffff, v17;
	v13 =	vor.u32 $0x26, v63;
	v14 =	vld.idx.msk [tilespmem:v16+s3+$0x0], $0xffff  }
0x11e: {  	v18 =	vor.u32 s23, v5;
	v16 =	vor.u32 $0x26, v62;
	v17 =	vld.idx.msk [tilespmem:v19+s3+$0x0], $0xffff  }
0x11f: {  	v19 =	vor.u32 $0x26, v61  }
0x120: {  	s30 =	sor.u32 $0x26, s13;
	[tilespmem:v9+s10+$0x0] =	vst.idx.msk $0xffff, v8  }
0x121: {  	v9 =	vor.u32 s30, v0;
	v8 =	vld.idx.msk [tilespmem:v10+s3+$0x0], $0xffff;
	[tilespmem:v12+s10+$0x0] =	vst.idx.msk $0xffff, v11  }
0x122: {  	v10 =	vor.u32 $0x27, v60;
	v12 =	vor.u32 s21, v6;
	[tilespmem:v15+s10+$0x0] =	vst.idx.msk $0xffff, v14;
	v11 =	vld.idx.msk [tilespmem:v13+s3+$0x0], $0xffff  }
0x123: {  	v15 =	vor.u32 s22, v6;
	[tilespmem:v18+s10+$0x0] =	vst.idx.msk $0xffff, v17;
	v13 =	vor.u32 $0x27, v63;
	v14 =	vld.idx.msk [tilespmem:v16+s3+$0x0], $0xffff  }
0x124: {  	v18 =	vor.u32 s23, v6;
	v16 =	vor.u32 $0x27, v62;
	v17 =	vld.idx.msk [tilespmem:v19+s3+$0x0], $0xffff  }
0x125: {  	v19 =	vor.u32 $0x27, v61  }
0x126: {  	s31 =	sor.u32 $0x27, s13;
	[tilespmem:v9+s10+$0x0] =	vst.idx.msk $0xffff, v8  }
0x127: {  	v9 =	vor.u32 s31, v0;
	v8 =	vld.idx.msk [tilespmem:v10+s3+$0x0], $0xffff;
	[tilespmem:v12+s10+$0x0] =	vst.idx.msk $0xffff, v11  }
0x128: {  	v10 =	vor.u32 $0x28, v60;
	v12 =	vor.u32 s21, v7;
	[tilespmem:v15+s10+$0x0] =	vst.idx.msk $0xffff, v14;
	v11 =	vld.idx.msk [tilespmem:v13+s3+$0x0], $0xffff  }
0x129: {  	v15 =	vor.u32 s22, v7;
	[tilespmem:v18+s10+$0x0] =	vst.idx.msk $0xffff, v17;
	v13 =	vor.u32 $0x28, v63;
	v14 =	vld.idx.msk [tilespmem:v16+s3+$0x0], $0xffff  }
0x12a: {  	v18 =	vor.u32 s23, v7;
	v16 =	vor.u32 $0x28, v62;
	v17 =	vld.idx.msk [tilespmem:v19+s3+$0x0], $0xffff  }
0x12b: {  	v19 =	vor.u32 $0x28, v61  }
0x12c: {  	s21 =	sor.u32 $0x28, s13;
	[tilespmem:v9+s10+$0x0] =	vst.idx.msk $0xffff, v8  }
0x12d: {  	s22 =	sor.u32 $0x28, s16;
	v9 =	vor.u32 s21, v0;
	v8 =	vld.idx.msk [tilespmem:v10+s3+$0x0], $0xffff;
	[tilespmem:v12+s10+$0x0] =	vst.idx.msk $0xffff, v11  }
0x12e: {  	s23 =	sor.u32 $0x28, s15;
	v10 =	vor.u32 $0x29, v60;
	v12 =	vor.u32 s22, v0;
	[tilespmem:v15+s10+$0x0] =	vst.idx.msk $0xffff, v14;
	v11 =	vld.idx.msk [tilespmem:v13+s3+$0x0], $0xffff  }
0x12f: {  	s24 =	sor.u32 $0x28, s14;
	v15 =	vor.u32 s23, v0;
	[tilespmem:v18+s10+$0x0] =	vst.idx.msk $0xffff, v17;
	v13 =	vor.u32 $0x29, v63;
	v14 =	vld.idx.msk [tilespmem:v16+s3+$0x0], $0xffff  }
0x130: {  	v18 =	vor.u32 s24, v0;
	v16 =	vor.u32 $0x29, v62;
	v17 =	vld.idx.msk [tilespmem:v19+s3+$0x0], $0xffff  }
0x131: {  	v19 =	vor.u32 $0x29, v61  }
0x132: {  	s25 =	sor.u32 $0x29, s13;
	[tilespmem:v9+s10+$0x0] =	vst.idx.msk $0xffff, v8  }
0x133: {  	v9 =	vor.u32 s25, v0;
	v8 =	vld.idx.msk [tilespmem:v10+s3+$0x0], $0xffff;
	[tilespmem:v12+s10+$0x0] =	vst.idx.msk $0xffff, v11  }
0x134: {  	v10 =	vor.u32 $0x2A, v60;
	v12 =	vor.u32 s22, v1;
	[tilespmem:v15+s10+$0x0] =	vst.idx.msk $0xffff, v14;
	v11 =	vld.idx.msk [tilespmem:v13+s3+$0x0], $0xffff  }
0x135: {  	v15 =	vor.u32 s23, v1;
	[tilespmem:v18+s10+$0x0] =	vst.idx.msk $0xffff, v17;
	v13 =	vor.u32 $0x2A, v63;
	v14 =	vld.idx.msk [tilespmem:v16+s3+$0x0], $0xffff  }
0x136: {  	v18 =	vor.u32 s24, v1;
	v16 =	vor.u32 $0x2A, v62;
	v17 =	vld.idx.msk [tilespmem:v19+s3+$0x0], $0xffff  }
0x137: {  	v19 =	vor.u32 $0x2A, v61  }
0x138: {  	s26 =	sor.u32 $0x2A, s13;
	[tilespmem:v9+s10+$0x0] =	vst.idx.msk $0xffff, v8  }
0x139: {  	v9 =	vor.u32 s26, v0;
	v8 =	vld.idx.msk [tilespmem:v10+s3+$0x0], $0xffff;
	[tilespmem:v12+s10+$0x0] =	vst.idx.msk $0xffff, v11  }
0x13a: {  	v10 =	vor.u32 $0x2B, v60;
	v12 =	vor.u32 s22, v2;
	[tilespmem:v15+s10+$0x0] =	vst.idx.msk $0xffff, v14;
	v11 =	vld.idx.msk [tilespmem:v13+s3+$0x0], $0xffff  }
0x13b: {  	v15 =	vor.u32 s23, v2;
	[tilespmem:v18+s10+$0x0] =	vst.idx.msk $0xffff, v17;
	v13 =	vor.u32 $0x2B, v63;
	v14 =	vld.idx.msk [tilespmem:v16+s3+$0x0], $0xffff  }
0x13c: {  	v18 =	vor.u32 s24, v2;
	v16 =	vor.u32 $0x2B, v62;
	v17 =	vld.idx.msk [tilespmem:v19+s3+$0x0], $0xffff  }
0x13d: {  	v19 =	vor.u32 $0x2B, v61  }
0x13e: {  	s28 =	sor.u32 $0x2B, s13;
	[tilespmem:v9+s10+$0x0] =	vst.idx.msk $0xffff, v8  }
0x13f: {  	v9 =	vor.u32 s28, v0;
	v8 =	vld.idx.msk [tilespmem:v10+s3+$0x0], $0xffff;
	[tilespmem:v12+s10+$0x0] =	vst.idx.msk $0xffff, v11  }
0x140: {  	v10 =	vor.u32 $0x2C, v60;
	v12 =	vor.u32 s22, v3;
	[tilespmem:v15+s10+$0x0] =	vst.idx.msk $0xffff, v14;
	v11 =	vld.idx.msk [tilespmem:v13+s3+$0x0], $0xffff  }
0x141: {  	v15 =	vor.u32 s23, v3;
	[tilespmem:v18+s10+$0x0] =	vst.idx.msk $0xffff, v17;
	v13 =	vor.u32 $0x2C, v63;
	v14 =	vld.idx.msk [tilespmem:v16+s3+$0x0], $0xffff  }
0x142: {  	v18 =	vor.u32 s24, v3;
	v16 =	vor.u32 $0x2C, v62;
	v17 =	vld.idx.msk [tilespmem:v19+s3+$0x0], $0xffff  }
0x143: {  	v19 =	vor.u32 $0x2C, v61  }
0x144: {  	s29 =	sor.u32 $0x2C, s13;
	[tilespmem:v9+s10+$0x0] =	vst.idx.msk $0xffff, v8  }
0x145: {  	v9 =	vor.u32 s29, v0;
	v8 =	vld.idx.msk [tilespmem:v10+s3+$0x0], $0xffff;
	[tilespmem:v12+s10+$0x0] =	vst.idx.msk $0xffff, v11  }
0x146: {  	v10 =	vor.u32 $0x2D, v60;
	v12 =	vor.u32 s22, v4;
	[tilespmem:v15+s10+$0x0] =	vst.idx.msk $0xffff, v14;
	v11 =	vld.idx.msk [tilespmem:v13+s3+$0x0], $0xffff  }
0x147: {  	v15 =	vor.u32 s23, v4;
	[tilespmem:v18+s10+$0x0] =	vst.idx.msk $0xffff, v17;
	v13 =	vor.u32 $0x2D, v63;
	v14 =	vld.idx.msk [tilespmem:v16+s3+$0x0], $0xffff  }
0x148: {  	v18 =	vor.u32 s24, v4;
	v16 =	vor.u32 $0x2D, v62;
	v17 =	vld.idx.msk [tilespmem:v19+s3+$0x0], $0xffff  }
0x149: {  	v19 =	vor.u32 $0x2D, v61  }
0x14a: {  	s30 =	sor.u32 $0x2D, s13;
	[tilespmem:v9+s10+$0x0] =	vst.idx.msk $0xffff, v8  }
0x14b: {  	v9 =	vor.u32 s30, v0;
	v8 =	vld.idx.msk [tilespmem:v10+s3+$0x0], $0xffff;
	[tilespmem:v12+s10+$0x0] =	vst.idx.msk $0xffff, v11  }
0x14c: {  	v10 =	vor.u32 $0x2E, v60;
	v12 =	vor.u32 s22, v5;
	[tilespmem:v15+s10+$0x0] =	vst.idx.msk $0xffff, v14;
	v11 =	vld.idx.msk [tilespmem:v13+s3+$0x0], $0xffff  }
0x14d: {  	v15 =	vor.u32 s23, v5;
	[tilespmem:v18+s10+$0x0] =	vst.idx.msk $0xffff, v17;
	v13 =	vor.u32 $0x2E, v63;
	v14 =	vld.idx.msk [tilespmem:v16+s3+$0x0], $0xffff  }
0x14e: {  	v18 =	vor.u32 s24, v5;
	v16 =	vor.u32 $0x2E, v62;
	v17 =	vld.idx.msk [tilespmem:v19+s3+$0x0], $0xffff  }
0x14f: {  	v19 =	vor.u32 $0x2E, v61  }
0x150: {  	s31 =	sor.u32 $0x2E, s13;
	[tilespmem:v9+s10+$0x0] =	vst.idx.msk $0xffff, v8  }
0x151: {  	v9 =	vor.u32 s31, v0;
	v8 =	vld.idx.msk [tilespmem:v10+s3+$0x0], $0xffff;
	[tilespmem:v12+s10+$0x0] =	vst.idx.msk $0xffff, v11  }
0x152: {  	v10 =	vor.u32 $0x2F, v60;
	v12 =	vor.u32 s22, v6;
	[tilespmem:v15+s10+$0x0] =	vst.idx.msk $0xffff, v14;
	v11 =	vld.idx.msk [tilespmem:v13+s3+$0x0], $0xffff  }
0x153: {  	v15 =	vor.u32 s23, v6;
	[tilespmem:v18+s10+$0x0] =	vst.idx.msk $0xffff, v17;
	v13 =	vor.u32 $0x2F, v63;
	v14 =	vld.idx.msk [tilespmem:v16+s3+$0x0], $0xffff  }
0x154: {  	v18 =	vor.u32 s24, v6;
	v16 =	vor.u32 $0x2F, v62;
	v17 =	vld.idx.msk [tilespmem:v19+s3+$0x0], $0xffff  }
0x155: {  	v19 =	vor.u32 $0x2F, v61  }
0x156: {  	s21 =	sor.u32 $0x2F, s13;
	[tilespmem:v9+s10+$0x0] =	vst.idx.msk $0xffff, v8  }
0x157: {  	v9 =	vor.u32 s21, v0;
	v8 =	vld.idx.msk [tilespmem:v10+s3+$0x0], $0xffff;
	[tilespmem:v12+s10+$0x0] =	vst.idx.msk $0xffff, v11  }
0x158: {  	v10 =	vor.u32 $0x30, v60;
	v12 =	vor.u32 s22, v7;
	[tilespmem:v15+s10+$0x0] =	vst.idx.msk $0xffff, v14;
	v11 =	vld.idx.msk [tilespmem:v13+s3+$0x0], $0xffff  }
0x159: {  	v15 =	vor.u32 s23, v7;
	[tilespmem:v18+s10+$0x0] =	vst.idx.msk $0xffff, v17;
	v13 =	vor.u32 $0x30, v63;
	v14 =	vld.idx.msk [tilespmem:v16+s3+$0x0], $0xffff  }
0x15a: {  	v18 =	vor.u32 s24, v7;
	v16 =	vor.u32 $0x30, v62;
	v17 =	vld.idx.msk [tilespmem:v19+s3+$0x0], $0xffff  }
0x15b: {  	v19 =	vor.u32 $0x30, v61  }
0x15c: {  	s22 =	sor.u32 $0x30, s13;
	[tilespmem:v9+s10+$0x0] =	vst.idx.msk $0xffff, v8  }
0x15d: {  	s23 =	sor.u32 $0x30, s16;
	v9 =	vor.u32 s22, v0;
	v8 =	vld.idx.msk [tilespmem:v10+s3+$0x0], $0xffff;
	[tilespmem:v12+s10+$0x0] =	vst.idx.msk $0xffff, v11  }
0x15e: {  	s24 =	sor.u32 $0x30, s15;
	v10 =	vor.u32 $0x31, v60;
	v12 =	vor.u32 s23, v0;
	[tilespmem:v15+s10+$0x0] =	vst.idx.msk $0xffff, v14;
	v11 =	vld.idx.msk [tilespmem:v13+s3+$0x0], $0xffff  }
0x15f: {  	s25 =	sor.u32 $0x30, s14;
	v15 =	vor.u32 s24, v0;
	[tilespmem:v18+s10+$0x0] =	vst.idx.msk $0xffff, v17;
	v13 =	vor.u32 $0x31, v63;
	v14 =	vld.idx.msk [tilespmem:v16+s3+$0x0], $0xffff  }
0x160: {  	v18 =	vor.u32 s25, v0;
	v16 =	vor.u32 $0x31, v62;
	v17 =	vld.idx.msk [tilespmem:v19+s3+$0x0], $0xffff  }
0x161: {  	v19 =	vor.u32 $0x31, v61  }
0x162: {  	s26 =	sor.u32 $0x31, s13;
	[tilespmem:v9+s10+$0x0] =	vst.idx.msk $0xffff, v8  }
0x163: {  	v9 =	vor.u32 s26, v0;
	v8 =	vld.idx.msk [tilespmem:v10+s3+$0x0], $0xffff;
	[tilespmem:v12+s10+$0x0] =	vst.idx.msk $0xffff, v11  }
0x164: {  	v10 =	vor.u32 $0x32, v60;
	v12 =	vor.u32 s23, v1;
	[tilespmem:v15+s10+$0x0] =	vst.idx.msk $0xffff, v14;
	v11 =	vld.idx.msk [tilespmem:v13+s3+$0x0], $0xffff  }
0x165: {  	v15 =	vor.u32 s24, v1;
	[tilespmem:v18+s10+$0x0] =	vst.idx.msk $0xffff, v17;
	v13 =	vor.u32 $0x32, v63;
	v14 =	vld.idx.msk [tilespmem:v16+s3+$0x0], $0xffff  }
0x166: {  	v18 =	vor.u32 s25, v1;
	v16 =	vor.u32 $0x32, v62;
	v17 =	vld.idx.msk [tilespmem:v19+s3+$0x0], $0xffff  }
0x167: {  	v19 =	vor.u32 $0x32, v61  }
0x168: {  	s28 =	sor.u32 $0x32, s13;
	[tilespmem:v9+s10+$0x0] =	vst.idx.msk $0xffff, v8  }
0x169: {  	v9 =	vor.u32 s28, v0;
	v8 =	vld.idx.msk [tilespmem:v10+s3+$0x0], $0xffff;
	[tilespmem:v12+s10+$0x0] =	vst.idx.msk $0xffff, v11  }
0x16a: {  	v10 =	vor.u32 $0x33, v60;
	v12 =	vor.u32 s23, v2;
	[tilespmem:v15+s10+$0x0] =	vst.idx.msk $0xffff, v14;
	v11 =	vld.idx.msk [tilespmem:v13+s3+$0x0], $0xffff  }
0x16b: {  	v15 =	vor.u32 s24, v2;
	[tilespmem:v18+s10+$0x0] =	vst.idx.msk $0xffff, v17;
	v13 =	vor.u32 $0x33, v63;
	v14 =	vld.idx.msk [tilespmem:v16+s3+$0x0], $0xffff  }
0x16c: {  	v18 =	vor.u32 s25, v2;
	v16 =	vor.u32 $0x33, v62;
	v17 =	vld.idx.msk [tilespmem:v19+s3+$0x0], $0xffff  }
0x16d: {  	v19 =	vor.u32 $0x33, v61  }
0x16e: {  	s29 =	sor.u32 $0x33, s13;
	[tilespmem:v9+s10+$0x0] =	vst.idx.msk $0xffff, v8  }
0x16f: {  	v9 =	vor.u32 s29, v0;
	v8 =	vld.idx.msk [tilespmem:v10+s3+$0x0], $0xffff;
	[tilespmem:v12+s10+$0x0] =	vst.idx.msk $0xffff, v11  }
0x170: {  	v10 =	vor.u32 $0x34, v60;
	v12 =	vor.u32 s23, v3;
	[tilespmem:v15+s10+$0x0] =	vst.idx.msk $0xffff, v14;
	v11 =	vld.idx.msk [tilespmem:v13+s3+$0x0], $0xffff  }
0x171: {  	v15 =	vor.u32 s24, v3;
	[tilespmem:v18+s10+$0x0] =	vst.idx.msk $0xffff, v17;
	v13 =	vor.u32 $0x34, v63;
	v14 =	vld.idx.msk [tilespmem:v16+s3+$0x0], $0xffff  }
0x172: {  	v18 =	vor.u32 s25, v3;
	v16 =	vor.u32 $0x34, v62;
	v17 =	vld.idx.msk [tilespmem:v19+s3+$0x0], $0xffff  }
0x173: {  	v19 =	vor.u32 $0x34, v61  }
0x174: {  	s30 =	sor.u32 $0x34, s13;
	[tilespmem:v9+s10+$0x0] =	vst.idx.msk $0xffff, v8  }
0x175: {  	v9 =	vor.u32 s30, v0;
	v8 =	vld.idx.msk [tilespmem:v10+s3+$0x0], $0xffff;
	[tilespmem:v12+s10+$0x0] =	vst.idx.msk $0xffff, v11  }
0x176: {  	v10 =	vor.u32 $0x35, v60;
	v12 =	vor.u32 s23, v4;
	[tilespmem:v15+s10+$0x0] =	vst.idx.msk $0xffff, v14;
	v11 =	vld.idx.msk [tilespmem:v13+s3+$0x0], $0xffff  }
0x177: {  	v15 =	vor.u32 s24, v4;
	[tilespmem:v18+s10+$0x0] =	vst.idx.msk $0xffff, v17;
	v13 =	vor.u32 $0x35, v63;
	v14 =	vld.idx.msk [tilespmem:v16+s3+$0x0], $0xffff  }
0x178: {  	v18 =	vor.u32 s25, v4;
	v16 =	vor.u32 $0x35, v62;
	v17 =	vld.idx.msk [tilespmem:v19+s3+$0x0], $0xffff  }
0x179: {  	v19 =	vor.u32 $0x35, v61  }
0x17a: {  	s31 =	sor.u32 $0x35, s13;
	[tilespmem:v9+s10+$0x0] =	vst.idx.msk $0xffff, v8  }
0x17b: {  	v9 =	vor.u32 s31, v0;
	v8 =	vld.idx.msk [tilespmem:v10+s3+$0x0], $0xffff;
	[tilespmem:v12+s10+$0x0] =	vst.idx.msk $0xffff, v11  }
0x17c: {  	v10 =	vor.u32 $0x36, v60;
	v12 =	vor.u32 s23, v5;
	[tilespmem:v15+s10+$0x0] =	vst.idx.msk $0xffff, v14;
	v11 =	vld.idx.msk [tilespmem:v13+s3+$0x0], $0xffff  }
0x17d: {  	v15 =	vor.u32 s24, v5;
	[tilespmem:v18+s10+$0x0] =	vst.idx.msk $0xffff, v17;
	v13 =	vor.u32 $0x36, v63;
	v14 =	vld.idx.msk [tilespmem:v16+s3+$0x0], $0xffff  }
0x17e: {  	v18 =	vor.u32 s25, v5;
	v16 =	vor.u32 $0x36, v62;
	v17 =	vld.idx.msk [tilespmem:v19+s3+$0x0], $0xffff  }
0x17f: {  	v19 =	vor.u32 $0x36, v61  }
0x180: {  	s21 =	sor.u32 $0x36, s13;
	[tilespmem:v9+s10+$0x0] =	vst.idx.msk $0xffff, v8  }
0x181: {  	v9 =	vor.u32 s21, v0;
	v8 =	vld.idx.msk [tilespmem:v10+s3+$0x0], $0xffff;
	[tilespmem:v12+s10+$0x0] =	vst.idx.msk $0xffff, v11  }
0x182: {  	v10 =	vor.u32 $0x37, v60;
	v12 =	vor.u32 s23, v6;
	[tilespmem:v15+s10+$0x0] =	vst.idx.msk $0xffff, v14;
	v11 =	vld.idx.msk [tilespmem:v13+s3+$0x0], $0xffff  }
0x183: {  	v15 =	vor.u32 s24, v6;
	[tilespmem:v18+s10+$0x0] =	vst.idx.msk $0xffff, v17;
	v13 =	vor.u32 $0x37, v63;
	v14 =	vld.idx.msk [tilespmem:v16+s3+$0x0], $0xffff  }
0x184: {  	v18 =	vor.u32 s25, v6;
	v16 =	vor.u32 $0x37, v62;
	v17 =	vld.idx.msk [tilespmem:v19+s3+$0x0], $0xffff  }
0x185: {  	v19 =	vor.u32 $0x37, v61  }
0x186: {  	s22 =	sor.u32 $0x37, s13;
	[tilespmem:v9+s10+$0x0] =	vst.idx.msk $0xffff, v8  }
0x187: {  	v8 =	vor.u32 s22, v0;
	v9 =	vld.idx.msk [tilespmem:v10+s3+$0x0], $0xffff;
	[tilespmem:v12+s10+$0x0] =	vst.idx.msk $0xffff, v11  }
0x188: {  	v10 =	vor.u32 s23, v7;
	v11 =	vor.u32 $0x38, v60;
	[tilespmem:v15+s10+$0x0] =	vst.idx.msk $0xffff, v14;
	v12 =	vld.idx.msk [tilespmem:v13+s3+$0x0], $0xffff  }
0x189: {  	v14 =	vor.u32 $0x38, v63;
	[tilespmem:v18+s10+$0x0] =	vst.idx.msk $0xffff, v17;
	v13 =	vor.u32 s24, v7;
	v15 =	vld.idx.msk [tilespmem:v16+s3+$0x0], $0xffff  }
0x18a: {  	v18 =	vor.u32 s25, v7;
	v16 =	vor.u32 $0x38, v62;
	v17 =	vld.idx.msk [tilespmem:v19+s3+$0x0], $0xffff  }
0x18b: {  	v19 =	vor.u32 $0x38, v61  }
0x18c: {  	s23 =	sor.u32 $0x38, s13;
	[tilespmem:v8+s10+$0x0] =	vst.idx.msk $0xffff, v9  }
0x18d: {  	s16 =	sor.u32 $0x38, s16;
	v9 =	vor.u32 s23, v0;
	v8 =	vld.idx.msk [tilespmem:v11+s3+$0x0], $0xffff;
	[tilespmem:v10+s10+$0x0] =	vst.idx.msk $0xffff, v12  }
0x18e: {  	s15 =	sor.u32 $0x38, s15;
	v10 =	vor.u32 $0x39, v60;
	v12 =	vor.u32 s16, v0;
	[tilespmem:v13+s10+$0x0] =	vst.idx.msk $0xffff, v15;
	v11 =	vld.idx.msk [tilespmem:v14+s3+$0x0], $0xffff  }
0x18f: {  	s14 =	sor.u32 $0x38, s14;
	v13 =	vor.u32 $0x39, v63;
	v15 =	vor.u32 s15, v0;
	[tilespmem:v18+s10+$0x0] =	vst.idx.msk $0xffff, v17;
	v14 =	vld.idx.msk [tilespmem:v16+s3+$0x0], $0xffff  }
0x190: {  	v18 =	vor.u32 s14, v0;
	v16 =	vor.u32 $0x39, v62;
	v17 =	vld.idx.msk [tilespmem:v19+s3+$0x0], $0xffff  }
0x191: {  	v19 =	vor.u32 $0x39, v61  }
0x192: {  	s24 =	sor.u32 $0x39, s13;
	[tilespmem:v9+s10+$0x0] =	vst.idx.msk $0xffff, v8  }
0x193: {  	v9 =	vor.u32 s24, v0;
	v8 =	vld.idx.msk [tilespmem:v10+s3+$0x0], $0xffff;
	[tilespmem:v12+s10+$0x0] =	vst.idx.msk $0xffff, v11  }
0x194: {  	v10 =	vor.u32 $0x3A, v60;
	v12 =	vor.u32 s16, v1;
	[tilespmem:v15+s10+$0x0] =	vst.idx.msk $0xffff, v14;
	v11 =	vld.idx.msk [tilespmem:v13+s3+$0x0], $0xffff  }
0x195: {  	v15 =	vor.u32 s15, v1;
	[tilespmem:v18+s10+$0x0] =	vst.idx.msk $0xffff, v17;
	v13 =	vor.u32 $0x3A, v63;
	v14 =	vld.idx.msk [tilespmem:v16+s3+$0x0], $0xffff  }
0x196: {  	v18 =	vor.u32 s14, v1;
	v16 =	vor.u32 $0x3A, v62;
	v17 =	vld.idx.msk [tilespmem:v19+s3+$0x0], $0xffff  }
0x197: {  	v19 =	vor.u32 $0x3A, v61  }
0x198: {  	s25 =	sor.u32 $0x3A, s13;
	[tilespmem:v9+s10+$0x0] =	vst.idx.msk $0xffff, v8  }
0x199: {  	v9 =	vor.u32 s25, v0;
	v8 =	vld.idx.msk [tilespmem:v10+s3+$0x0], $0xffff;
	[tilespmem:v12+s10+$0x0] =	vst.idx.msk $0xffff, v11  }
0x19a: {  	v10 =	vor.u32 $0x3B, v60;
	v12 =	vor.u32 s16, v2;
	[tilespmem:v15+s10+$0x0] =	vst.idx.msk $0xffff, v14;
	v11 =	vld.idx.msk [tilespmem:v13+s3+$0x0], $0xffff  }
0x19b: {  	v15 =	vor.u32 s15, v2;
	[tilespmem:v18+s10+$0x0] =	vst.idx.msk $0xffff, v17;
	v13 =	vor.u32 $0x3B, v63;
	v14 =	vld.idx.msk [tilespmem:v16+s3+$0x0], $0xffff  }
0x19c: {  	v18 =	vor.u32 s14, v2;
	v16 =	vor.u32 $0x3B, v62;
	v17 =	vld.idx.msk [tilespmem:v19+s3+$0x0], $0xffff  }
0x19d: {  	v19 =	vor.u32 $0x3B, v61  }
0x19e: {  	s26 =	sor.u32 $0x3B, s13;
	[tilespmem:v9+s10+$0x0] =	vst.idx.msk $0xffff, v8  }
0x19f: {  	v9 =	vor.u32 s26, v0;
	v8 =	vld.idx.msk [tilespmem:v10+s3+$0x0], $0xffff;
	[tilespmem:v12+s10+$0x0] =	vst.idx.msk $0xffff, v11  }
0x1a0: {  	v10 =	vor.u32 $0x3C, v60;
	v12 =	vor.u32 s16, v3;
	[tilespmem:v15+s10+$0x0] =	vst.idx.msk $0xffff, v14;
	v11 =	vld.idx.msk [tilespmem:v13+s3+$0x0], $0xffff  }
0x1a1: {  	v15 =	vor.u32 s15, v3;
	[tilespmem:v18+s10+$0x0] =	vst.idx.msk $0xffff, v17;
	v13 =	vor.u32 $0x3C, v63;
	v14 =	vld.idx.msk [tilespmem:v16+s3+$0x0], $0xffff  }
0x1a2: {  	v18 =	vor.u32 s14, v3;
	v16 =	vor.u32 $0x3C, v62;
	v17 =	vld.idx.msk [tilespmem:v19+s3+$0x0], $0xffff  }
0x1a3: {  	v19 =	vor.u32 $0x3C, v61  }
0x1a4: {  	s28 =	sor.u32 $0x3C, s13;
	[tilespmem:v9+s10+$0x0] =	vst.idx.msk $0xffff, v8  }
0x1a5: {  	v9 =	vor.u32 s28, v0;
	v8 =	vld.idx.msk [tilespmem:v10+s3+$0x0], $0xffff;
	[tilespmem:v12+s10+$0x0] =	vst.idx.msk $0xffff, v11  }
0x1a6: {  	v10 =	vor.u32 $0x3D, v60;
	v12 =	vor.u32 s16, v4;
	[tilespmem:v15+s10+$0x0] =	vst.idx.msk $0xffff, v14;
	v11 =	vld.idx.msk [tilespmem:v13+s3+$0x0], $0xffff  }
0x1a7: {  	v15 =	vor.u32 s15, v4;
	[tilespmem:v18+s10+$0x0] =	vst.idx.msk $0xffff, v17;
	v13 =	vor.u32 $0x3D, v63;
	v14 =	vld.idx.msk [tilespmem:v16+s3+$0x0], $0xffff  }
0x1a8: {  	v18 =	vor.u32 s14, v4;
	v16 =	vor.u32 $0x3D, v62;
	v17 =	vld.idx.msk [tilespmem:v19+s3+$0x0], $0xffff  }
0x1a9: {  	v19 =	vor.u32 $0x3D, v61  }
0x1aa: {  	s29 =	sor.u32 $0x3D, s13;
	[tilespmem:v9+s10+$0x0] =	vst.idx.msk $0xffff, v8  }
0x1ab: {  	v9 =	vor.u32 s29, v0;
	v8 =	vld.idx.msk [tilespmem:v10+s3+$0x0], $0xffff;
	[tilespmem:v12+s10+$0x0] =	vst.idx.msk $0xffff, v11  }
0x1ac: {  	v10 =	vor.u32 $0x3E, v60;
	v12 =	vor.u32 s16, v5;
	[tilespmem:v15+s10+$0x0] =	vst.idx.msk $0xffff, v14;
	v11 =	vld.idx.msk [tilespmem:v13+s3+$0x0], $0xffff  }
0x1ad: {  	v15 =	vor.u32 s15, v5;
	[tilespmem:v18+s10+$0x0] =	vst.idx.msk $0xffff, v17;
	v13 =	vor.u32 $0x3E, v63;
	v14 =	vld.idx.msk [tilespmem:v16+s3+$0x0], $0xffff  }
0x1ae: {  	v18 =	vor.u32 s14, v5;
	v16 =	vor.u32 $0x3E, v62;
	v17 =	vld.idx.msk [tilespmem:v19+s3+$0x0], $0xffff  }
0x1af: {  	v19 =	vor.u32 $0x3E, v61  }
0x1b0: {  	s30 =	sor.u32 $0x3E, s13;
	[tilespmem:v9+s10+$0x0] =	vst.idx.msk $0xffff, v8  }
0x1b1: {  	v8 =	vor.u32 s30, v0;
	v9 =	vld.idx.msk [tilespmem:v10+s3+$0x0], $0xffff;
	[tilespmem:v12+s10+$0x0] =	vst.idx.msk $0xffff, v11  }
0x1b2: {  	v10 =	vor.u32 $0x3F, v60;
	[tilespmem:v15+s10+$0x0] =	vst.idx.msk $0xffff, v14;
	v12 =	vor.u32 s16, v6;
	v11 =	vld.idx.msk [tilespmem:v13+s3+$0x0], $0xffff  }
0x1b3: {  	v60 =	vor.u32 s15, v6;
	[tilespmem:v18+s10+$0x0] =	vst.idx.msk $0xffff, v17;
	v13 =	vor.u32 $0x3F, v63;
	v14 =	vld.idx.msk [tilespmem:v16+s3+$0x0], $0xffff  }
0x1b4: {  	v18 =	vor.u32 s14, v6;
	v63 =	vor.u32 $0x3F, v62;
	v17 =	vld.idx.msk [tilespmem:v19+s3+$0x0], $0xffff  }
0x1b5: {  	v19 =	vor.u32 $0x3F, v61  }
0x1b6: {  	s13 =	sor.u32 $0x3F, s13;
	[tilespmem:v8+s10+$0x0] =	vst.idx.msk $0xffff, v9  }
0x1b7: {  	v8 =	vor.u32 s13, v0;
	v9 =	vld.idx.msk [tilespmem:v10+s3+$0x0], $0xffff;
	[tilespmem:v12+s10+$0x0] =	vst.idx.msk $0xffff, v11  }
0x1b8: {  	v10 =	vor.u32 s16, v7;
	[tilespmem:v60+s10+$0x0] =	vst.idx.msk $0xffff, v14;
	v11 =	vld.idx.msk [tilespmem:v13+s3+$0x0], $0xffff  }
0x1b9: {  	v61 =	vor.u32 s15, v7;
	[tilespmem:v18+s10+$0x0] =	vst.idx.msk $0xffff, v17;
	v60 =	vld.idx.msk [tilespmem:v63+s3+$0x0], $0xffff  }
0x1ba: {  	p0 =	slt.u32 s12, $0x14;
	v62 =	vld.idx.msk [tilespmem:v19+s3+$0x0], $0xffff;
	v63 =	vor.u32 s14, v7  }
.Ltmp0:
0x1bb: {  	_ = 	snop;
	(pc) =	sbr.rel @p0 .LBB2_2-.Ltmp0, $4  }
0x1bc: {  	[tilespmem:v8+s10+$0x0] =	vst.idx.msk $0xffff, v9  }
0x1bd: {  	[tilespmem:v10+s10+$0x0] =	vst.idx.msk $0xffff, v11  }
0x1be: {  	s31 =	sadd.s32 $0x4, s12;
	[tilespmem:v61+s10+$0x0] =	vst.idx.msk $0xffff, v60  }
0x1bf: {  	s12 =	smov.u32 s31;
	[tilespmem:v63+s10+$0x0] =	vst.idx.msk $0xffff, v62  }
0x1c0: {  	v8 =	vld [tilespmem:$0x8180];
	_ =	sdelay $0x4  }
0x1c1: {  	v60 =	vshll.u32 v8, $0x6;
	_ =	sdelay $0x1  }
0x1c2: {  	v10 =	vld [tilespmem:$0x1FF40];
	_ =	sdelay $0x2  }
0x1c3: {  	v8 =	vld.idx.msk [tilespmem:v60+s3+$0x0], $0xff  }
0x1c4: {  	v9 =	vor.u32 $0x1, v60;
	_ =	sdelay $0x1  }
0x1c5: {  	v61 =	vld [tilespmem:$0x1FF50];
	_ =	sdelay $0x1  }
0x1c6: {  	[tilespmem:v10+s10+$0x0] =	vst.idx.msk $0xff, v8  }
0x1c7: {  	v8 =	vld.idx.msk [tilespmem:v9+s3+$0x0], $0xff  }
0x1c8: {  	v17 =	vor.u32 $0x2, v60;
	_ =	sdelay $0x1  }
0x1c9: {  	v63 =	vld [tilespmem:$0x1FF60];
	_ =	sdelay $0x1  }
0x1ca: {  	[tilespmem:v61+s10+$0x0] =	vst.idx.msk $0xff, v8  }
0x1cb: {  	v8 =	vld.idx.msk [tilespmem:v17+s3+$0x0], $0xff  }
0x1cc: {  	v62 =	vor.u32 $0x3, v60;
	_ =	sdelay $0x1  }
0x1cd: {  	v13 =	vld [tilespmem:$0x1FF70];
	_ =	sdelay $0x1  }
0x1ce: {  	[tilespmem:v63+s10+$0x0] =	vst.idx.msk $0xff, v8  }
0x1cf: {  	v8 =	vld.idx.msk [tilespmem:v62+s3+$0x0], $0xff  }
0x1d0: {  	v12 =	vor.u32 $0x4, v60;
	_ =	sdelay $0x1  }
0x1d1: {  	v15 =	vld [tilespmem:$0x1FF80];
	_ =	sdelay $0x1  }
0x1d2: {  	[tilespmem:v13+s10+$0x0] =	vst.idx.msk $0xff, v8  }
0x1d3: {  	v8 =	vld.idx.msk [tilespmem:v12+s3+$0x0], $0xff  }
0x1d4: {  	v14 =	vor.u32 $0x5, v60;
	_ =	sdelay $0x1  }
0x1d5: {  	v17 =	vld [tilespmem:$0x1FF90];
	_ =	sdelay $0x1  }
0x1d6: {  	[tilespmem:v15+s10+$0x0] =	vst.idx.msk $0xff, v8  }
0x1d7: {  	v8 =	vld.idx.msk [tilespmem:v14+s3+$0x0], $0xff  }
0x1d8: {  	v16 =	vor.u32 $0x6, v60;
	_ =	sdelay $0x1  }
0x1d9: {  	v62 =	vld [tilespmem:$0x1FFA0];
	_ =	sdelay $0x1  }
0x1da: {  	[tilespmem:v17+s10+$0x0] =	vst.idx.msk $0xff, v8  }
0x1db: {  	v8 =	vld.idx.msk [tilespmem:v16+s3+$0x0], $0xff  }
0x1dc: {  	v61 =	vor.u32 $0x7, v60;
	_ =	sdelay $0x1  }
0x1dd: {  	v12 =	vld [tilespmem:$0x1FFB0];
	_ =	sdelay $0x1  }
0x1de: {  	[tilespmem:v62+s10+$0x0] =	vst.idx.msk $0xff, v8  }
0x1df: {  	v8 =	vld.idx.msk [tilespmem:v61+s3+$0x0], $0xff  }
0x1e0: {  	v63 =	vor.u32 $0x8, v60;
	_ =	sdelay $0x1  }
0x1e1: {  	v14 =	vld [tilespmem:$0x1FFC0];
	_ =	sdelay $0x1  }
0x1e2: {  	[tilespmem:v12+s10+$0x0] =	vst.idx.msk $0xff, v8  }
0x1e3: {  	v8 =	vld.idx.msk [tilespmem:v63+s3+$0x0], $0xff  }
0x1e4: {  	v13 =	vor.u32 $0x9, v60;
	_ =	sdelay $0x1  }
0x1e5: {  	v16 =	vld [tilespmem:$0x1FFD0];
	_ =	sdelay $0x1  }
0x1e6: {  	[tilespmem:v14+s10+$0x0] =	vst.idx.msk $0xff, v8  }
0x1e7: {  	v8 =	vld.idx.msk [tilespmem:v13+s3+$0x0], $0xff  }
0x1e8: {  	v15 =	vor.u32 $0xA, v60;
	_ =	sdelay $0x1  }
0x1e9: {  	v61 =	vld [tilespmem:$0x1FFE0];
	_ =	sdelay $0x1  }
0x1ea: {  	[tilespmem:v16+s10+$0x0] =	vst.idx.msk $0xff, v8  }
0x1eb: {  	v8 =	vld.idx.msk [tilespmem:v15+s3+$0x0], $0xff  }
0x1ec: {  	v17 =	vor.u32 $0xB, v60;
	_ =	sdelay $0x1  }
0x1ed: {  	v63 =	vld [tilespmem:$0x1FFF0];
	_ =	sdelay $0x1  }
0x1ee: {  	[tilespmem:v61+s10+$0x0] =	vst.idx.msk $0xff, v8  }
0x1ef: {  	v8 =	vld.idx.msk [tilespmem:v17+s3+$0x0], $0xff  }
0x1f0: {  	v62 =	vor.u32 $0xC, v60;
	_ =	sdelay $0x3  }
0x1f1: {  	[tilespmem:v63+s10+$0x0] =	vst.idx.msk $0xff, v8  }
0x1f2: {  	v8 =	vld.idx.msk [tilespmem:v62+s3+$0x0], $0xff  }
0x1f3: {  	v12 =	vor.u32 $0xD, v60;
	_ =	sdelay $0x3  }
0x1f4: {  	[tilespmem:v20+s10+$0x0] =	vst.idx.msk $0xff, v8  }
0x1f5: {  	v8 =	vld.idx.msk [tilespmem:v12+s3+$0x0], $0xff  }
0x1f6: {  	v13 =	vor.u32 $0xE, v60;
	_ =	sdelay $0x3  }
0x1f7: {  	[tilespmem:v21+s10+$0x0] =	vst.idx.msk $0xff, v8  }
0x1f8: {  	v8 =	vld.idx.msk [tilespmem:v13+s3+$0x0], $0xff  }
0x1f9: {  	v14 =	vor.u32 $0xF, v60;
	_ =	sdelay $0x3  }
0x1fa: {  	[tilespmem:v22+s10+$0x0] =	vst.idx.msk $0xff, v8  }
0x1fb: {  	v8 =	vld.idx.msk [tilespmem:v14+s3+$0x0], $0xff  }
0x1fc: {  	v15 =	vor.u32 $0x10, v60;
	_ =	sdelay $0x3  }
0x1fd: {  	[tilespmem:v23+s10+$0x0] =	vst.idx.msk $0xff, v8  }
0x1fe: {  	v8 =	vld.idx.msk [tilespmem:v15+s3+$0x0], $0xff  }
0x1ff: {  	v16 =	vor.u32 $0x11, v60;
	_ =	sdelay $0x3  }
0x200: {  	[tilespmem:v24+s10+$0x0] =	vst.idx.msk $0xff, v8  }
0x201: {  	v8 =	vld.idx.msk [tilespmem:v16+s3+$0x0], $0xff  }
0x202: {  	v17 =	vor.u32 $0x12, v60;
	_ =	sdelay $0x3  }
0x203: {  	[tilespmem:v25+s10+$0x0] =	vst.idx.msk $0xff, v8  }
0x204: {  	v8 =	vld.idx.msk [tilespmem:v17+s3+$0x0], $0xff  }
0x205: {  	v61 =	vor.u32 $0x13, v60;
	_ =	sdelay $0x3  }
0x206: {  	[tilespmem:v26+s10+$0x0] =	vst.idx.msk $0xff, v8  }
0x207: {  	v8 =	vld.idx.msk [tilespmem:v61+s3+$0x0], $0xff  }
0x208: {  	v62 =	vor.u32 $0x14, v60;
	_ =	sdelay $0x3  }
0x209: {  	[tilespmem:v27+s10+$0x0] =	vst.idx.msk $0xff, v8  }
0x20a: {  	v8 =	vld.idx.msk [tilespmem:v62+s3+$0x0], $0xff  }
0x20b: {  	v63 =	vor.u32 $0x15, v60;
	_ =	sdelay $0x3  }
0x20c: {  	[tilespmem:v28+s10+$0x0] =	vst.idx.msk $0xff, v8  }
0x20d: {  	v8 =	vld.idx.msk [tilespmem:v63+s3+$0x0], $0xff  }
0x20e: {  	v12 =	vor.u32 $0x16, v60;
	_ =	sdelay $0x3  }
0x20f: {  	[tilespmem:v29+s10+$0x0] =	vst.idx.msk $0xff, v8  }
0x210: {  	v8 =	vld.idx.msk [tilespmem:v12+s3+$0x0], $0xff  }
0x211: {  	v13 =	vor.u32 $0x17, v60;
	_ =	sdelay $0x3  }
0x212: {  	[tilespmem:v30+s10+$0x0] =	vst.idx.msk $0xff, v8  }
0x213: {  	v8 =	vld.idx.msk [tilespmem:v13+s3+$0x0], $0xff  }
0x214: {  	v14 =	vor.u32 $0x18, v60;
	_ =	sdelay $0x3  }
0x215: {  	[tilespmem:v31+s10+$0x0] =	vst.idx.msk $0xff, v8  }
0x216: {  	v8 =	vld.idx.msk [tilespmem:v14+s3+$0x0], $0xff  }
0x217: {  	v15 =	vor.u32 $0x19, v60;
	_ =	sdelay $0x3  }
0x218: {  	[tilespmem:v32+s10+$0x0] =	vst.idx.msk $0xff, v8  }
0x219: {  	v8 =	vld.idx.msk [tilespmem:v15+s3+$0x0], $0xff  }
0x21a: {  	v16 =	vor.u32 $0x1A, v60;
	_ =	sdelay $0x3  }
0x21b: {  	[tilespmem:v33+s10+$0x0] =	vst.idx.msk $0xff, v8  }
0x21c: {  	v8 =	vld.idx.msk [tilespmem:v16+s3+$0x0], $0xff  }
0x21d: {  	v17 =	vor.u32 $0x1B, v60;
	_ =	sdelay $0x3  }
0x21e: {  	[tilespmem:v34+s10+$0x0] =	vst.idx.msk $0xff, v8  }
0x21f: {  	v8 =	vld.idx.msk [tilespmem:v17+s3+$0x0], $0xff  }
0x220: {  	v61 =	vor.u32 $0x1C, v60;
	_ =	sdelay $0x3  }
0x221: {  	[tilespmem:v35+s10+$0x0] =	vst.idx.msk $0xff, v8  }
0x222: {  	v8 =	vld.idx.msk [tilespmem:v61+s3+$0x0], $0xff  }
0x223: {  	v62 =	vor.u32 $0x1D, v60;
	_ =	sdelay $0x3  }
0x224: {  	[tilespmem:v36+s10+$0x0] =	vst.idx.msk $0xff, v8  }
0x225: {  	v8 =	vld.idx.msk [tilespmem:v62+s3+$0x0], $0xff  }
0x226: {  	v63 =	vor.u32 $0x1E, v60;
	_ =	sdelay $0x3  }
0x227: {  	[tilespmem:v37+s10+$0x0] =	vst.idx.msk $0xff, v8  }
0x228: {  	v8 =	vld.idx.msk [tilespmem:v63+s3+$0x0], $0xff  }
0x229: {  	v12 =	vor.u32 $0x1F, v60;
	_ =	sdelay $0x3  }
0x22a: {  	[tilespmem:v38+s10+$0x0] =	vst.idx.msk $0xff, v8  }
0x22b: {  	v8 =	vld.idx.msk [tilespmem:v12+s3+$0x0], $0xff  }
0x22c: {  	v13 =	vor.u32 $0x20, v60;
	_ =	sdelay $0x3  }
0x22d: {  	[tilespmem:v39+s10+$0x0] =	vst.idx.msk $0xff, v8  }
0x22e: {  	v8 =	vld.idx.msk [tilespmem:v13+s3+$0x0], $0xff  }
0x22f: {  	v14 =	vor.u32 $0x21, v60;
	_ =	sdelay $0x3  }
0x230: {  	[tilespmem:v40+s10+$0x0] =	vst.idx.msk $0xff, v8  }
0x231: {  	v8 =	vld.idx.msk [tilespmem:v14+s3+$0x0], $0xff  }
0x232: {  	v15 =	vor.u32 $0x22, v60;
	_ =	sdelay $0x3  }
0x233: {  	[tilespmem:v41+s10+$0x0] =	vst.idx.msk $0xff, v8  }
0x234: {  	v8 =	vld.idx.msk [tilespmem:v15+s3+$0x0], $0xff  }
0x235: {  	v16 =	vor.u32 $0x23, v60;
	_ =	sdelay $0x3  }
0x236: {  	[tilespmem:v42+s10+$0x0] =	vst.idx.msk $0xff, v8  }
0x237: {  	v8 =	vld.idx.msk [tilespmem:v16+s3+$0x0], $0xff  }
0x238: {  	v17 =	vor.u32 $0x24, v60;
	_ =	sdelay $0x3  }
0x239: {  	[tilespmem:v43+s10+$0x0] =	vst.idx.msk $0xff, v8  }
0x23a: {  	v8 =	vld.idx.msk [tilespmem:v17+s3+$0x0], $0xff  }
0x23b: {  	v61 =	vor.u32 $0x25, v60;
	_ =	sdelay $0x3  }
0x23c: {  	[tilespmem:v44+s10+$0x0] =	vst.idx.msk $0xff, v8  }
0x23d: {  	v8 =	vld.idx.msk [tilespmem:v61+s3+$0x0], $0xff  }
0x23e: {  	v62 =	vor.u32 $0x26, v60;
	_ =	sdelay $0x3  }
0x23f: {  	[tilespmem:v45+s10+$0x0] =	vst.idx.msk $0xff, v8  }
0x240: {  	v8 =	vld.idx.msk [tilespmem:v62+s3+$0x0], $0xff  }
0x241: {  	v63 =	vor.u32 $0x27, v60;
	_ =	sdelay $0x3  }
0x242: {  	[tilespmem:v46+s10+$0x0] =	vst.idx.msk $0xff, v8  }
0x243: {  	v8 =	vld.idx.msk [tilespmem:v63+s3+$0x0], $0xff  }
0x244: {  	v12 =	vor.u32 $0x28, v60;
	_ =	sdelay $0x3  }
0x245: {  	[tilespmem:v47+s10+$0x0] =	vst.idx.msk $0xff, v8  }
0x246: {  	v8 =	vld.idx.msk [tilespmem:v12+s3+$0x0], $0xff  }
0x247: {  	v13 =	vor.u32 $0x29, v60;
	_ =	sdelay $0x3  }
0x248: {  	[tilespmem:v48+s10+$0x0] =	vst.idx.msk $0xff, v8  }
0x249: {  	v8 =	vld.idx.msk [tilespmem:v13+s3+$0x0], $0xff  }
0x24a: {  	v14 =	vor.u32 $0x2A, v60;
	_ =	sdelay $0x3  }
0x24b: {  	[tilespmem:v49+s10+$0x0] =	vst.idx.msk $0xff, v8  }
0x24c: {  	v8 =	vld.idx.msk [tilespmem:v14+s3+$0x0], $0xff  }
0x24d: {  	v15 =	vor.u32 $0x2B, v60;
	_ =	sdelay $0x3  }
0x24e: {  	[tilespmem:v50+s10+$0x0] =	vst.idx.msk $0xff, v8  }
0x24f: {  	v8 =	vld.idx.msk [tilespmem:v15+s3+$0x0], $0xff  }
0x250: {  	v16 =	vor.u32 $0x2C, v60;
	_ =	sdelay $0x3  }
0x251: {  	[tilespmem:v51+s10+$0x0] =	vst.idx.msk $0xff, v8  }
0x252: {  	v8 =	vld.idx.msk [tilespmem:v16+s3+$0x0], $0xff  }
0x253: {  	v17 =	vor.u32 $0x2D, v60;
	_ =	sdelay $0x3  }
0x254: {  	[tilespmem:v52+s10+$0x0] =	vst.idx.msk $0xff, v8  }
0x255: {  	v8 =	vld.idx.msk [tilespmem:v17+s3+$0x0], $0xff  }
0x256: {  	v61 =	vor.u32 $0x2E, v60;
	_ =	sdelay $0x3  }
0x257: {  	[tilespmem:v53+s10+$0x0] =	vst.idx.msk $0xff, v8  }
0x258: {  	v8 =	vld.idx.msk [tilespmem:v61+s3+$0x0], $0xff  }
0x259: {  	v62 =	vor.u32 $0x2F, v60;
	_ =	sdelay $0x3  }
0x25a: {  	[tilespmem:v54+s10+$0x0] =	vst.idx.msk $0xff, v8  }
0x25b: {  	v8 =	vld.idx.msk [tilespmem:v62+s3+$0x0], $0xff  }
0x25c: {  	v63 =	vor.u32 $0x30, v60;
	_ =	sdelay $0x3  }
0x25d: {  	[tilespmem:v55+s10+$0x0] =	vst.idx.msk $0xff, v8  }
0x25e: {  	v8 =	vld.idx.msk [tilespmem:v63+s3+$0x0], $0xff  }
0x25f: {  	v12 =	vor.u32 $0x31, v60;
	_ =	sdelay $0x3  }
0x260: {  	[tilespmem:v56+s10+$0x0] =	vst.idx.msk $0xff, v8  }
0x261: {  	v8 =	vld.idx.msk [tilespmem:v12+s3+$0x0], $0xff  }
0x262: {  	v13 =	vor.u32 $0x32, v60;
	_ =	sdelay $0x3  }
0x263: {  	[tilespmem:v57+s10+$0x0] =	vst.idx.msk $0xff, v8  }
0x264: {  	v8 =	vld.idx.msk [tilespmem:v13+s3+$0x0], $0xff  }
0x265: {  	v14 =	vor.u32 $0x33, v60;
	_ =	sdelay $0x3  }
0x266: {  	[tilespmem:v58+s10+$0x0] =	vst.idx.msk $0xff, v8  }
0x267: {  	v8 =	vld.idx.msk [tilespmem:v14+s3+$0x0], $0xff  }
0x268: {  	v15 =	vor.u32 $0x34, v60;
	_ =	sdelay $0x3  }
0x269: {  	[tilespmem:v59+s10+$0x0] =	vst.idx.msk $0xff, v8  }
0x26a: {  	v16 =	vor.u32 $0x6034, v0;
	v8 =	vld.idx.msk [tilespmem:v15+s3+$0x0], $0xff  }
0x26b: {  	v17 =	vor.u32 $0x35, v60;
	_ =	sdelay $0x3  }
0x26c: {  	[tilespmem:v16+s10+$0x0] =	vst.idx.msk $0xff, v8  }
0x26d: {  	v61 =	vor.u32 $0x6035, v0;
	v8 =	vld.idx.msk [tilespmem:v17+s3+$0x0], $0xff  }
0x26e: {  	v62 =	vor.u32 $0x36, v60;
	_ =	sdelay $0x3  }
0x26f: {  	[tilespmem:v61+s10+$0x0] =	vst.idx.msk $0xff, v8  }
0x270: {  	v63 =	vor.u32 $0x6036, v0;
	v8 =	vld.idx.msk [tilespmem:v62+s3+$0x0], $0xff  }
0x271: {  	v12 =	vor.u32 $0x37, v60;
	_ =	sdelay $0x3  }
0x272: {  	[tilespmem:v63+s10+$0x0] =	vst.idx.msk $0xff, v8  }
0x273: {  	v13 =	vor.u32 $0x6037, v0;
	v8 =	vld.idx.msk [tilespmem:v12+s3+$0x0], $0xff  }
0x274: {  	v14 =	vor.u32 $0x38, v60;
	_ =	sdelay $0x3  }
0x275: {  	[tilespmem:v13+s10+$0x0] =	vst.idx.msk $0xff, v8  }
0x276: {  	v15 =	vor.u32 $0x6038, v0;
	v8 =	vld.idx.msk [tilespmem:v14+s3+$0x0], $0xff  }
0x277: {  	v16 =	vor.u32 $0x39, v60;
	_ =	sdelay $0x3  }
0x278: {  	[tilespmem:v15+s10+$0x0] =	vst.idx.msk $0xff, v8  }
0x279: {  	v17 =	vor.u32 $0x6039, v0;
	v8 =	vld.idx.msk [tilespmem:v16+s3+$0x0], $0xff  }
0x27a: {  	v61 =	vor.u32 $0x3A, v60;
	_ =	sdelay $0x3  }
0x27b: {  	[tilespmem:v17+s10+$0x0] =	vst.idx.msk $0xff, v8  }
0x27c: {  	v62 =	vor.u32 $0x603A, v0;
	v8 =	vld.idx.msk [tilespmem:v61+s3+$0x0], $0xff  }
0x27d: {  	v63 =	vor.u32 $0x3B, v60;
	_ =	sdelay $0x3  }
0x27e: {  	[tilespmem:v62+s10+$0x0] =	vst.idx.msk $0xff, v8  }
0x27f: {  	v12 =	vor.u32 $0x603B, v0;
	v8 =	vld.idx.msk [tilespmem:v63+s3+$0x0], $0xff  }
0x280: {  	v13 =	vor.u32 $0x3C, v60;
	_ =	sdelay $0x3  }
0x281: {  	[tilespmem:v12+s10+$0x0] =	vst.idx.msk $0xff, v8  }
0x282: {  	v14 =	vor.u32 $0x603C, v0;
	v8 =	vld.idx.msk [tilespmem:v13+s3+$0x0], $0xff  }
0x283: {  	v15 =	vor.u32 $0x3D, v60;
	_ =	sdelay $0x3  }
0x284: {  	[tilespmem:v14+s10+$0x0] =	vst.idx.msk $0xff, v8  }
0x285: {  	v16 =	vor.u32 $0x603D, v0;
	v8 =	vld.idx.msk [tilespmem:v15+s3+$0x0], $0xff  }
0x286: {  	v17 =	vor.u32 $0x3E, v60;
	_ =	sdelay $0x3  }
0x287: {  	[tilespmem:v16+s10+$0x0] =	vst.idx.msk $0xff, v8  }
0x288: {  	v61 =	vor.u32 $0x603E, v0;
	v8 =	vld.idx.msk [tilespmem:v17+s3+$0x0], $0xff  }
0x289: {  	v62 =	vor.u32 $0x3F, v60;
	_ =	sdelay $0x3  }
0x28a: {  	[tilespmem:v61+s10+$0x0] =	vst.idx.msk $0xff, v8  }
0x28b: {  	v63 =	vor.u32 $0x603F, v0;
	v8 =	vld.idx.msk [tilespmem:v62+s3+$0x0], $0xff;
	_ =	sdelay $0x2  }
0x28c: {  	s11 =	sadd.s32 $0x1, s11  }
0x28d: {  	p0 =	sne.s32 s11, s6  }
.Ltmp1:
0x28e: {  	[tilespmem:v63+s10+$0x0] =	vst.idx.msk $0xff, v8;
	(pc) =	sbr.rel @p0 .LBB2_1-.Ltmp1, $4  }
0x28f: {  	[hbm4b:s5+s3] =	stream.linear.scatter [tilespmem:s10], [sflag:$0x2], $0x6200, $0x38;
	[tilespmem:$0xE398] =	vst v63  }
0x290: {  	_ =	swait.ge [sflag:s8], $0x6200  }
0x291: {  	[sflag:s8] =	ssyncset.done $0x0  }
0x292: {  	[sflag:s8] =	ssyncadd.s32 $0xFFFF9E00  }
0x293: {  	_ =	sfence.sel $0x180000  }
0x294: {  	[bflag:$0x0] =	sbarrier.arrive $0xFFFF  }
0x295: {  	p0 =	sne.s32 s0, $0x0;
	_ =	strace $0x90000047  }
0x296: {  	s0 =	sadd.s32 @!p0 $0x100000, s2;
	[bflag:$0x2] =	sbarrier.arrive $0xFFFF  }
0x297: {  	[sflag:s0] =	ssyncadd.tile.s32 @!p0 $0x1;
	_ =	shalt  }
.Lfunc_end2:
_tile_overlayer_lowered:
.L_overlay_start_2:
0x298: {  	(tag) =	ssettag $0x2  }
0x299: {  	s0 =	rddreg [dreg:$0x0];
	s2 =	stileid.u32  }
0x29a: {  	s1 =	rddreg [dreg:$0x1];
	p0 =	sne.s32 s2, $0x0  }
0x29b: {  	s3 =	rddreg [dreg:$0x2];
	[bflag:$0x3] =	sbarrier.arrive $0xFFFF;
	s2 =	simm.s32 @!p0 $0x1C02  }
0x29c: {  	[timem:s3], [sflag:s2] =	dma.local @!p0 [hbm:s0], s1  }
0x29d: {  	s0 =	simm.s32 @!p0 $0x2  }
0x29e: {  	_ =	swait.ge @!p0 [sflag:s0], s1  }
0x29f: {  	s1 =	ssub.s32 @!p0 $0x0, s1;
	[sflag:s0] =	ssyncset.done @!p0 $0x0  }
0x2a0: {  	[sflag:s0] =	ssyncadd.s32 @!p0 s1  }
0x2a1: {  	[bflag:$0x3] =	sbarrier.arrive $0xFFFF  }
0x2a2: {  	_ =	shalt  }

</sc_bundles>
